<compile_context>
chip_gen: v7x
topology: tpu7x:2x2x1
jax: 0.10.2.dev20260603
libtpu: 0.0.44.dev20260713+nightly
codegen_flags: <defaults>
</compile_context>

<pallas_src>
import functools

import jax
import jax.numpy as jnp
from jax import lax
from jax.experimental import pallas as pl
from jax.experimental.pallas import tpu as pltpu
from jax.experimental.pallas import tpu_sc as plsc

_VOCAB = 100000
_EMBED = 25
_BATCH = 4096
_SEQ = 200
_B = _BATCH * _SEQ
_ST = _SEQ // 8
_BT = _BATCH // 128
_CH = 4096
_HALF = _B // 4
_NCHH = _HALF // _CH
_SLAB = _HALF // 16

_mesh = plsc.VectorSubcoreMesh(core_axis_name="c", subcore_axis_name="s")


@functools.partial(
    pl.kernel,
    mesh=_mesh,
    out_type=jax.ShapeDtypeStruct((_EMBED, _B), jnp.float32),
    scratch_types=[
        pltpu.VMEM_SHARED((_HALF,), jnp.int32),
        pltpu.VMEM((_VOCAB,), jnp.float32),
        pltpu.VMEM((2, _CH), jnp.int32),
        pltpu.VMEM((2, _CH), jnp.float32),
        pltpu.SemaphoreType.DMA,
        pltpu.SemaphoreType.DMA,
        pltpu.SemaphoreType.DMA,
        pltpu.SemaphoreType.DMA,
    ],
    compiler_params=pltpu.CompilerParams(
        use_tc_tiling_on_sc=False, needs_layout_passes=False),
)
def _gather_kernel(tblt_hbm, idx_hbm, out_hbm, idx_sh, tbl_v, idx_v, out_v,
                   sem_i0, sem_i1, sem_o0, sem_o1):
    wid = lax.axis_index("s") * 2 + lax.axis_index("c")
    sid = lax.axis_index("s")
    sem_i = (sem_i0, sem_i1)
    sem_o = (sem_o0, sem_o1)

    @pl.when(wid < _EMBED)
    def _():
        pltpu.make_async_copy(tblt_hbm.at[wid], tbl_v, sem_i0).start()

    for h in range(4):
        pltpu.sync_copy(
            idx_hbm.at[pl.ds(h * _HALF + sid * _SLAB, _SLAB)],
            idx_sh.at[pl.ds(sid * _SLAB, _SLAB)])
        if h == 0:
            @pl.when(wid < _EMBED)
            def _():
                pltpu.make_async_copy(tblt_hbm.at[wid], tbl_v, sem_i0).wait()
        plsc.subcore_barrier()

        @pl.when(wid < _EMBED)
        def _():
            def idx_copy(k, p):
                return pltpu.make_async_copy(
                    idx_sh.at[pl.ds(k * _CH, _CH)], idx_v.at[p], sem_i[p])

            def out_copy(k, p):
                return pltpu.make_async_copy(
                    out_v.at[p],
                    out_hbm.at[wid, pl.ds(h * _HALF + k * _CH, _CH)],
                    sem_o[p])

            idx_copy(0, 0).start()
            idx_copy(1, 1).start()

            def ch_body(t, carry):
                for p in range(2):
                    k = t * 2 + p
                    idx_copy(k, p).wait()

                    @pl.when(k >= 2)
                    def _():
                        out_copy(k - 2, p).wait()

                    @plsc.parallel_loop(0, _CH // 16, unroll=16)
                    def gat_body(m):
                        ids = idx_v[p, pl.ds(m * 16, 16)]
                        out_v[p, pl.ds(m * 16, 16)] = plsc.load_gather(
                            tbl_v, [ids])

                    out_copy(k, p).start()

                    @pl.when(k + 2 < _NCHH)
                    def _():
                        idx_copy(k + 2, p).start()

                return carry

            lax.fori_loop(0, _NCHH // 2, ch_body, 0)
            out_copy(_NCHH - 2, 0).wait()
            out_copy(_NCHH - 1, 1).wait()

        plsc.subcore_barrier()


def kernel(x, table):
    xp = (x.astype(jnp.int32)
          .reshape(_BT, 128, _ST, 8)
          .transpose(2, 0, 3, 1)
          .reshape(_B))
    table_t = table.T
    out2 = _gather_kernel(table_t, xp)
    out5 = out2.reshape(_EMBED, _ST, _BT, 8, 128)
    return out5.transpose(2, 4, 1, 3, 0).reshape(_BATCH, _SEQ, _EMBED)

# --- scband reference (transcript-rebuilt; emitter-appended) ---
"""Pipeline reference for scband-glove25-embedding-14766097563748 (READ-ONLY COPY).

The authoritative reference and input builder live on the scoring server;
editing this copy changes nothing except your own understanding.
"""

import jax, jax.numpy as jnp
import numpy as np

VOCAB = 100000
EMBED = 25
BATCH = 4096
SEQ = 200

def setup_inputs(seed: int = 0) -> dict:
    key = jax.random.key(seed)
    k1, k2 = jax.random.split(key)
    x = jax.random.randint(k1, (BATCH, SEQ), 0, VOCAB, dtype=jnp.int64 if jax.config.jax_enable_x64 else jnp.int32)
    # embedding table (stands in for the pretrained GloVe-25 matrix)
    table = jax.random.normal(k2, (VOCAB, EMBED), dtype=jnp.float32)
    return {"x": x, "table": table}

def reference(x, table):
    # forward: self.embedding(x.to(torch.int32)).float()
    idx = x.astype(jnp.int32)
    out = jnp.take(table, idx, axis=0)
    return out.astype(jnp.float32)

if __name__ == "__main__":
    import jax
    _d = setup_inputs()
    print(jax.jit(kernel)(*tuple(_d.values())))

</pallas_src>

<mosaic_0001>
#map = affine_map<(d0, d1) -> (0, 0)>
#map1 = affine_map<(d0, d1) -> (0)>
module attributes {stable_mosaic.version = 14 : i64} {
  func.func @_gather_kernel(%arg0: i32, %arg1: i32, %arg2: memref<25x100000xf32, #tpu.memory_space<hbm>>, %arg3: memref<819200xi32, #tpu.memory_space<hbm>>, %arg4: memref<25x819200xf32, #tpu.memory_space<hbm>>, %arg5: memref<204800xi32, #tpu.memory_space<vmem_shared>>, %arg6: memref<100000xf32, #tpu.memory_space<vmem>>, %arg7: memref<2x4096xi32, #tpu.memory_space<vmem>>, %arg8: memref<2x4096xf32, #tpu.memory_space<vmem>>, %arg9: memref<!tpu.dma_semaphore, #tpu.memory_space<semaphore_mem>>, %arg10: memref<!tpu.dma_semaphore, #tpu.memory_space<semaphore_mem>>, %arg11: memref<!tpu.dma_semaphore, #tpu.memory_space<semaphore_mem>>, %arg12: memref<!tpu.dma_semaphore, #tpu.memory_space<semaphore_mem>>) attributes {dimension_semantics = [#tpu.dimension_semantics<core_parallel>, #tpu.dimension_semantics<subcore_parallel>], iteration_bounds = array<i64: 2, 16>, scalar_prefetch = 0 : i64, scratch_operands = 8 : i64, tpu.core_type = #tpu.core_type<sc_vector_subcore>, window_params = [{transform_indices = #map}, {transform_indices = #map1}, {transform_indices = #map}]} {
    %mul3A = arith.constant 2 : i32
    %mul3A_0 = arith.muli %arg1, %mul3A : i32
    %add3A = arith.addi %mul3A_0, %arg0 : i32
    %lt3A = arith.constant 25 : i32
    %lt3A_1 = arith.cmpi slt, %add3A, %lt3A : i32
    %convert_element_type3A = arith.extui %lt3A_1 : i1 to i32
    %cond3A = arith.constant 0 : i32
    %cond3A_2 = arith.cmpi ne, %convert_element_type3A, %cond3A : i32
    scf.if %cond3A_2 {
      %dma_start3A = arith.constant 0 : i32
      %dma_start3A_59 = tpu.memref_slice %arg2[%add3A, %dma_start3A] : memref<25x100000xf32, #tpu.memory_space<hbm>> -> memref<1x100000xf32, #tpu.memory_space<hbm>>
      %dma_start3A_60 = tpu.memref_squeeze %dma_start3A_59 : memref<1x100000xf32, #tpu.memory_space<hbm>> -> memref<100000xf32, #tpu.memory_space<hbm>>
      %dma_start3A_61 = arith.constant 0 : i32
      %dma_start3A_62 = tpu.memref_slice %arg2[%add3A, %dma_start3A_61] : memref<25x100000xf32, #tpu.memory_space<hbm>> -> memref<1x100000xf32, #tpu.memory_space<hbm>>
      %dma_start3A_63 = tpu.memref_squeeze %dma_start3A_62 : memref<1x100000xf32, #tpu.memory_space<hbm>> -> memref<100000xf32, #tpu.memory_space<hbm>>
      tpu.enqueue_dma source(%dma_start3A_63 : memref<100000xf32, #tpu.memory_space<hbm>>) target(%arg6 : memref<100000xf32, #tpu.memory_space<vmem>>) target_semaphore(%arg9 : memref<!tpu.dma_semaphore, #tpu.memory_space<semaphore_mem>>)
    } else {
    }
    %mul3A_3 = arith.constant 12800 : i32
    %mul3A_4 = arith.muli %arg1, %mul3A_3 : i32
    %add3A_5 = arith.constant 0 : i32
    %add3A_6 = arith.addi %add3A_5, %mul3A_4 : i32
    %mul3A_7 = arith.constant 12800 : i32
    %mul3A_8 = arith.muli %arg1, %mul3A_7 : i32
    "tpu.region"() ({
      %run_scoped3A = tpu.sem_alloc : memref<!tpu.dma_semaphore, #tpu.memory_space<semaphore_mem>>
      %dma_start3A = tpu.memref_slice %arg5[%mul3A_8] : memref<204800xi32, #tpu.memory_space<vmem_shared>> -> memref<12800xi32, #tpu.memory_space<vmem_shared>>
      %dma_start3A_59 = tpu.memref_slice %arg3[%add3A_6] : memref<819200xi32, #tpu.memory_space<hbm>> -> memref<12800xi32, #tpu.memory_space<hbm>>
      tpu.enqueue_dma source(%dma_start3A_59 : memref<12800xi32, #tpu.memory_space<hbm>>) target(%dma_start3A : memref<12800xi32, #tpu.memory_space<vmem_shared>>) target_semaphore(%run_scoped3A : memref<!tpu.dma_semaphore, #tpu.memory_space<semaphore_mem>>)
      %dma_wait3A = tpu.memref_slice %arg5[%mul3A_8] : memref<204800xi32, #tpu.memory_space<vmem_shared>> -> memref<12800xi32, #tpu.memory_space<vmem_shared>>
      %dma_wait3A_60 = tpu.memref_slice %arg3[%add3A_6] : memref<819200xi32, #tpu.memory_space<hbm>> -> memref<12800xi32, #tpu.memory_space<hbm>>
      tpu.wait_dma2 semaphore(%run_scoped3A : memref<!tpu.dma_semaphore, #tpu.memory_space<semaphore_mem>>) src(%dma_wait3A_60 : memref<12800xi32, #tpu.memory_space<hbm>>) dst(%dma_wait3A : memref<12800xi32, #tpu.memory_space<vmem_shared>>)
      tpu.yield
    }) : () -> ()
    %lt3A_9 = arith.constant 25 : i32
    %lt3A_10 = arith.cmpi slt, %add3A, %lt3A_9 : i32
    %convert_element_type3A_11 = arith.extui %lt3A_10 : i1 to i32
    %cond3A_12 = arith.constant 0 : i32
    %cond3A_13 = arith.cmpi ne, %convert_element_type3A_11, %cond3A_12 : i32
    scf.if %cond3A_13 {
      %dma_wait3A = arith.constant 0 : i32
      %dma_wait3A_59 = tpu.memref_slice %arg2[%add3A, %dma_wait3A] : memref<25x100000xf32, #tpu.memory_space<hbm>> -> memref<1x100000xf32, #tpu.memory_space<hbm>>
      %dma_wait3A_60 = tpu.memref_squeeze %dma_wait3A_59 : memref<1x100000xf32, #tpu.memory_space<hbm>> -> memref<100000xf32, #tpu.memory_space<hbm>>
      %dma_wait3A_61 = arith.constant 0 : i32
      %dma_wait3A_62 = tpu.memref_slice %arg2[%add3A, %dma_wait3A_61] : memref<25x100000xf32, #tpu.memory_space<hbm>> -> memref<1x100000xf32, #tpu.memory_space<hbm>>
      %dma_wait3A_63 = tpu.memref_squeeze %dma_wait3A_62 : memref<1x100000xf32, #tpu.memory_space<hbm>> -> memref<100000xf32, #tpu.memory_space<hbm>>
      tpu.wait_dma2 semaphore(%arg9 : memref<!tpu.dma_semaphore, #tpu.memory_space<semaphore_mem>>) src(%dma_wait3A_63 : memref<100000xf32, #tpu.memory_space<hbm>>) dst(%arg6 : memref<100000xf32, #tpu.memory_space<vmem>>)
    } else {
    }
    %barrier3A = arith.constant 0 : index
    tpu.barrier barrier_id(%barrier3A)
    %lt3A_14 = arith.constant 25 : i32
    %lt3A_15 = arith.cmpi slt, %add3A, %lt3A_14 : i32
    %convert_element_type3A_16 = arith.extui %lt3A_15 : i1 to i32
    %cond3A_17 = arith.constant 0 : i32
    %cond3A_18 = arith.cmpi ne, %convert_element_type3A_16, %cond3A_17 : i32
    scf.if %cond3A_18 {
      %dma_start3A = arith.constant 0 : i32
      %dma_start3A_59 = arith.constant 0 : i32
      %dma_start3A_60 = tpu.memref_slice %arg7[%dma_start3A, %dma_start3A_59] : memref<2x4096xi32, #tpu.memory_space<vmem>> -> memref<1x4096xi32, #tpu.memory_space<vmem>>
      %dma_start3A_61 = tpu.memref_squeeze %dma_start3A_60 : memref<1x4096xi32, #tpu.memory_space<vmem>> -> memref<4096xi32, #tpu.memory_space<vmem>>
      %dma_start3A_62 = arith.constant 0 : i32
      %dma_start3A_63 = tpu.memref_slice %arg5[%dma_start3A_62] : memref<204800xi32, #tpu.memory_space<vmem_shared>> -> memref<4096xi32, #tpu.memory_space<vmem_shared>>
      %dma_start3A_64 = arith.constant 0 : i32
      %dma_start3A_65 = tpu.memref_slice %arg7[%dma_start3A, %dma_start3A_64] : memref<2x4096xi32, #tpu.memory_space<vmem>> -> memref<1x4096xi32, #tpu.memory_space<vmem>>
      %dma_start3A_66 = tpu.memref_squeeze %dma_start3A_65 : memref<1x4096xi32, #tpu.memory_space<vmem>> -> memref<4096xi32, #tpu.memory_space<vmem>>
      %dma_start3A_67 = arith.constant 0 : i32
      %dma_start3A_68 = tpu.memref_slice %arg5[%dma_start3A_67] : memref<204800xi32, #tpu.memory_space<vmem_shared>> -> memref<4096xi32, #tpu.memory_space<vmem_shared>>
      tpu.enqueue_dma source(%dma_start3A_68 : memref<4096xi32, #tpu.memory_space<vmem_shared>>) target(%dma_start3A_66 : memref<4096xi32, #tpu.memory_space<vmem>>) target_semaphore(%arg9 : memref<!tpu.dma_semaphore, #tpu.memory_space<semaphore_mem>>)
      %dma_start3A_69 = arith.constant 1 : i32
      %dma_start3A_70 = arith.constant 0 : i32
      %dma_start3A_71 = tpu.memref_slice %arg7[%dma_start3A_69, %dma_start3A_70] : memref<2x4096xi32, #tpu.memory_space<vmem>> -> memref<1x4096xi32, #tpu.memory_space<vmem>>
      %dma_start3A_72 = tpu.memref_squeeze %dma_start3A_71 : memref<1x4096xi32, #tpu.memory_space<vmem>> -> memref<4096xi32, #tpu.memory_space<vmem>>
      %dma_start3A_73 = arith.constant 4096 : i32
      %dma_start3A_74 = tpu.memref_slice %arg5[%dma_start3A_73] : memref<204800xi32, #tpu.memory_space<vmem_shared>> -> memref<4096xi32, #tpu.memory_space<vmem_shared>>
      %dma_start3A_75 = arith.constant 0 : i32
      %dma_start3A_76 = tpu.memref_slice %arg7[%dma_start3A_69, %dma_start3A_75] : memref<2x4096xi32, #tpu.memory_space<vmem>> -> memref<1x4096xi32, #tpu.memory_space<vmem>>
      %dma_start3A_77 = tpu.memref_squeeze %dma_start3A_76 : memref<1x4096xi32, #tpu.memory_space<vmem>> -> memref<4096xi32, #tpu.memory_space<vmem>>
      %dma_start3A_78 = arith.constant 4096 : i32
      %dma_start3A_79 = tpu.memref_slice %arg5[%dma_start3A_78] : memref<204800xi32, #tpu.memory_space<vmem_shared>> -> memref<4096xi32, #tpu.memory_space<vmem_shared>>
      tpu.enqueue_dma source(%dma_start3A_79 : memref<4096xi32, #tpu.memory_space<vmem_shared>>) target(%dma_start3A_77 : memref<4096xi32, #tpu.memory_space<vmem>>) target_semaphore(%arg10 : memref<!tpu.dma_semaphore, #tpu.memory_space<semaphore_mem>>)
      %scan3A = arith.constant 0 : i32
      %scan3A_80 = arith.constant 0 : i32
      %scan3A_81 = arith.constant 25 : i32
      %scan3A_82 = arith.addi %scan3A_80, %scan3A_81 : i32
      %scan3A_83 = arith.constant 1 : i32
      scf.for %scan3A_110 = %scan3A_80 to %scan3A_82 step %scan3A_83  : i32 {
        %mul3A_111 = arith.constant 2 : i32
        %mul3A_112 = arith.muli %scan3A_110, %mul3A_111 : i32
        %add3A_113 = arith.constant 0 : i32
        %add3A_114 = arith.addi %mul3A_112, %add3A_113 : i32
        %mul3A_115 = arith.constant 4096 : i32
        %mul3A_116 = arith.muli %add3A_114, %mul3A_115 : i32
        %dma_wait3A_117 = arith.constant 0 : i32
        %dma_wait3A_118 = arith.constant 0 : i32
        %dma_wait3A_119 = tpu.memref_slice %arg7[%dma_wait3A_117, %dma_wait3A_118] : memref<2x4096xi32, #tpu.memory_space<vmem>> -> memref<1x4096xi32, #tpu.memory_space<vmem>>
        %dma_wait3A_120 = tpu.memref_squeeze %dma_wait3A_119 : memref<1x4096xi32, #tpu.memory_space<vmem>> -> memref<4096xi32, #tpu.memory_space<vmem>>
        %dma_wait3A_121 = tpu.memref_slice %arg5[%mul3A_116] : memref<204800xi32, #tpu.memory_space<vmem_shared>> -> memref<4096xi32, #tpu.memory_space<vmem_shared>>
        %dma_wait3A_122 = arith.constant 0 : i32
        %dma_wait3A_123 = tpu.memref_slice %arg7[%dma_wait3A_117, %dma_wait3A_122] : memref<2x4096xi32, #tpu.memory_space<vmem>> -> memref<1x4096xi32, #tpu.memory_space<vmem>>
        %dma_wait3A_124 = tpu.memref_squeeze %dma_wait3A_123 : memref<1x4096xi32, #tpu.memory_space<vmem>> -> memref<4096xi32, #tpu.memory_space<vmem>>
        %dma_wait3A_125 = tpu.memref_slice %arg5[%mul3A_116] : memref<204800xi32, #tpu.memory_space<vmem_shared>> -> memref<4096xi32, #tpu.memory_space<vmem_shared>>
        tpu.wait_dma2 semaphore(%arg9 : memref<!tpu.dma_semaphore, #tpu.memory_space<semaphore_mem>>) src(%dma_wait3A_125 : memref<4096xi32, #tpu.memory_space<vmem_shared>>) dst(%dma_wait3A_124 : memref<4096xi32, #tpu.memory_space<vmem>>)
        %ge3A = arith.constant 2 : i32
        %ge3A_126 = arith.cmpi sge, %add3A_114, %ge3A : i32
        %convert_element_type3A_127 = arith.extui %ge3A_126 : i1 to i32
        %cond3A_128 = arith.constant 0 : i32
        %cond3A_129 = arith.cmpi ne, %convert_element_type3A_127, %cond3A_128 : i32
        scf.if %cond3A_129 {
          %sub3A = arith.constant 2 : i32
          %sub3A_199 = arith.subi %add3A_114, %sub3A : i32
          %mul3A_200 = arith.constant 4096 : i32
          %mul3A_201 = arith.muli %sub3A_199, %mul3A_200 : i32
          %add3A_202 = arith.constant 0 : i32
          %add3A_203 = arith.addi %add3A_202, %mul3A_201 : i32
          %dma_wait3A_204 = arith.constant 0 : i32
          %dma_wait3A_205 = arith.constant 0 : i32
          %dma_wait3A_206 = tpu.memref_slice %arg8[%dma_wait3A_204, %dma_wait3A_205] : memref<2x4096xf32, #tpu.memory_space<vmem>> -> memref<1x4096xf32, #tpu.memory_space<vmem>>
          %dma_wait3A_207 = tpu.memref_squeeze %dma_wait3A_206 : memref<1x4096xf32, #tpu.memory_space<vmem>> -> memref<4096xf32, #tpu.memory_space<vmem>>
          %dma_wait3A_208 = tpu.memref_slice %arg4[%add3A, %add3A_203] : memref<25x819200xf32, #tpu.memory_space<hbm>> -> memref<1x4096xf32, #tpu.memory_space<hbm>>
          %dma_wait3A_209 = tpu.memref_squeeze %dma_wait3A_208 : memref<1x4096xf32, #tpu.memory_space<hbm>> -> memref<4096xf32, #tpu.memory_space<hbm>>
          %dma_wait3A_210 = tpu.memref_slice %arg4[%add3A, %add3A_203] : memref<25x819200xf32, #tpu.memory_space<hbm>> -> memref<1x4096xf32, #tpu.memory_space<hbm>>
          %dma_wait3A_211 = tpu.memref_squeeze %dma_wait3A_210 : memref<1x4096xf32, #tpu.memory_space<hbm>> -> memref<4096xf32, #tpu.memory_space<hbm>>
          %dma_wait3A_212 = arith.constant 0 : i32
          %dma_wait3A_213 = tpu.memref_slice %arg8[%dma_wait3A_204, %dma_wait3A_212] : memref<2x4096xf32, #tpu.memory_space<vmem>> -> memref<1x4096xf32, #tpu.memory_space<vmem>>
          %dma_wait3A_214 = tpu.memref_squeeze %dma_wait3A_213 : memref<1x4096xf32, #tpu.memory_space<vmem>> -> memref<4096xf32, #tpu.memory_space<vmem>>
          tpu.wait_dma2 semaphore(%arg11 : memref<!tpu.dma_semaphore, #tpu.memory_space<semaphore_mem>>) src(%dma_wait3A_214 : memref<4096xf32, #tpu.memory_space<vmem>>) dst(%dma_wait3A_211 : memref<4096xf32, #tpu.memory_space<hbm>>)
        } else {
        }
        %parallel_loop3A = arith.constant 0 : i32
        %parallel_loop3A_130 = arith.constant 256 : i32
        %parallel_loop3A_131 = arith.constant 1 : i32
        scf.for %parallel_loop3A_199 = %parallel_loop3A to %parallel_loop3A_130 step %parallel_loop3A_131  : i32 {
          %parallel_loop3A_200 = arith.constant 16 : i32
          %parallel_loop3A_201 = arith.muli %parallel_loop3A_199, %parallel_loop3A_200 : i32
          %parallel_loop3A_202 = arith.constant 0 : i32
          %parallel_loop3A_203 = arith.index_cast %parallel_loop3A_202 : i32 to index
          %parallel_loop3A_204 = arith.index_cast %parallel_loop3A_201 : i32 to index
          %parallel_loop3A_205 = tpu.vector_load %arg7[%parallel_loop3A_203, %parallel_loop3A_204] {strides = array<i32>} : memref<2x4096xi32, #tpu.memory_space<vmem>>, vector<16xi32>,
          %parallel_loop3A_206 = tpu.vector_load_idx %arg6[%parallel_loop3A_205] : memref<100000xf32, #tpu.memory_space<vmem>>[vector<16xi32>], vector<16xf32>,
          %parallel_loop3A_207 = arith.constant 16 : i32
          %parallel_loop3A_208 = arith.muli %parallel_loop3A_199, %parallel_loop3A_207 : i32
          %parallel_loop3A_209 = arith.constant 0 : i32
          %parallel_loop3A_210 = arith.index_cast %parallel_loop3A_209 : i32 to index
          %parallel_loop3A_211 = arith.index_cast %parallel_loop3A_208 : i32 to index
          %parallel_loop3A_212 = tpu.vector_load %arg8[%parallel_loop3A_210, %parallel_loop3A_211] {strides = array<i32>} : memref<2x4096xf32, #tpu.memory_space<vmem>>, vector<16xf32>,
          tpu.vector_store %arg8[%parallel_loop3A_210, %parallel_loop3A_211], %parallel_loop3A_206 {strides = array<i32>} : memref<2x4096xf32, #tpu.memory_space<vmem>>, vector<16xf32>,
        } {sc.loop_unroll_factor = 16 : i64, sc.parallel_access}
        %mul3A_132 = arith.constant 4096 : i32
        %mul3A_133 = arith.muli %add3A_114, %mul3A_132 : i32
        %add3A_134 = arith.constant 0 : i32
        %add3A_135 = arith.addi %add3A_134, %mul3A_133 : i32
        %dma_start3A_136 = arith.constant 0 : i32
        %dma_start3A_137 = arith.constant 0 : i32
        %dma_start3A_138 = tpu.memref_slice %arg8[%dma_start3A_136, %dma_start3A_137] : memref<2x4096xf32, #tpu.memory_space<vmem>> -> memref<1x4096xf32, #tpu.memory_space<vmem>>
        %dma_start3A_139 = tpu.memref_squeeze %dma_start3A_138 : memref<1x4096xf32, #tpu.memory_space<vmem>> -> memref<4096xf32, #tpu.memory_space<vmem>>
        %dma_start3A_140 = tpu.memref_slice %arg4[%add3A, %add3A_135] : memref<25x819200xf32, #tpu.memory_space<hbm>> -> memref<1x4096xf32, #tpu.memory_space<hbm>>
        %dma_start3A_141 = tpu.memref_squeeze %dma_start3A_140 : memref<1x4096xf32, #tpu.memory_space<hbm>> -> memref<4096xf32, #tpu.memory_space<hbm>>
        %dma_start3A_142 = tpu.memref_slice %arg4[%add3A, %add3A_135] : memref<25x819200xf32, #tpu.memory_space<hbm>> -> memref<1x4096xf32, #tpu.memory_space<hbm>>
        %dma_start3A_143 = tpu.memref_squeeze %dma_start3A_142 : memref<1x4096xf32, #tpu.memory_space<hbm>> -> memref<4096xf32, #tpu.memory_space<hbm>>
        %dma_start3A_144 = arith.constant 0 : i32
        %dma_start3A_145 = tpu.memref_slice %arg8[%dma_start3A_136, %dma_start3A_144] : memref<2x4096xf32, #tpu.memory_space<vmem>> -> memref<1x4096xf32, #tpu.memory_space<vmem>>
        %dma_start3A_146 = tpu.memref_squeeze %dma_start3A_145 : memref<1x4096xf32, #tpu.memory_space<vmem>> -> memref<4096xf32, #tpu.memory_space<vmem>>
        tpu.enqueue_dma source(%dma_start3A_146 : memref<4096xf32, #tpu.memory_space<vmem>>) target(%dma_start3A_143 : memref<4096xf32, #tpu.memory_space<hbm>>) target_semaphore(%arg11 : memref<!tpu.dma_semaphore, #tpu.memory_space<semaphore_mem>>)
        %add3A_147 = arith.constant 2 : i32
        %add3A_148 = arith.addi %add3A_114, %add3A_147 : i32
        %lt3A_149 = arith.constant 50 : i32
        %lt3A_150 = arith.cmpi slt, %add3A_148, %lt3A_149 : i32
        %convert_element_type3A_151 = arith.extui %lt3A_150 : i1 to i32
        %cond3A_152 = arith.constant 0 : i32
        %cond3A_153 = arith.cmpi ne, %convert_element_type3A_151, %cond3A_152 : i32
        scf.if %cond3A_153 {
          %add3A_199 = arith.constant 2 : i32
          %add3A_200 = arith.addi %add3A_114, %add3A_199 : i32
          %mul3A_201 = arith.constant 4096 : i32
          %mul3A_202 = arith.muli %add3A_200, %mul3A_201 : i32
          %dma_start3A_203 = arith.constant 0 : i32
          %dma_start3A_204 = arith.constant 0 : i32
          %dma_start3A_205 = tpu.memref_slice %arg7[%dma_start3A_203, %dma_start3A_204] : memref<2x4096xi32, #tpu.memory_space<vmem>> -> memref<1x4096xi32, #tpu.memory_space<vmem>>
          %dma_start3A_206 = tpu.memref_squeeze %dma_start3A_205 : memref<1x4096xi32, #tpu.memory_space<vmem>> -> memref<4096xi32, #tpu.memory_space<vmem>>
          %dma_start3A_207 = tpu.memref_slice %arg5[%mul3A_202] : memref<204800xi32, #tpu.memory_space<vmem_shared>> -> memref<4096xi32, #tpu.memory_space<vmem_shared>>
          %dma_start3A_208 = arith.constant 0 : i32
          %dma_start3A_209 = tpu.memref_slice %arg7[%dma_start3A_203, %dma_start3A_208] : memref<2x4096xi32, #tpu.memory_space<vmem>> -> memref<1x4096xi32, #tpu.memory_space<vmem>>
          %dma_start3A_210 = tpu.memref_squeeze %dma_start3A_209 : memref<1x4096xi32, #tpu.memory_space<vmem>> -> memref<4096xi32, #tpu.memory_space<vmem>>
          %dma_start3A_211 = tpu.memref_slice %arg5[%mul3A_202] : memref<204800xi32, #tpu.memory_space<vmem_shared>> -> memref<4096xi32, #tpu.memory_space<vmem_shared>>
          tpu.enqueue_dma source(%dma_start3A_211 : memref<4096xi32, #tpu.memory_space<vmem_shared>>) target(%dma_start3A_210 : memref<4096xi32, #tpu.memory_space<vmem>>) target_semaphore(%arg9 : memref<!tpu.dma_semaphore, #tpu.memory_space<semaphore_mem>>)
        } else {
        }
        %mul3A_154 = arith.constant 2 : i32
        %mul3A_155 = arith.muli %scan3A_110, %mul3A_154 : i32
        %add3A_156 = arith.constant 1 : i32
        %add3A_157 = arith.addi %mul3A_155, %add3A_156 : i32
        %mul3A_158 = arith.constant 4096 : i32
        %mul3A_159 = arith.muli %add3A_157, %mul3A_158 : i32
        %dma_wait3A_160 = arith.constant 1 : i32
        %dma_wait3A_161 = arith.constant 0 : i32
        %dma_wait3A_162 = tpu.memref_slice %arg7[%dma_wait3A_160, %dma_wait3A_161] : memref<2x4096xi32, #tpu.memory_space<vmem>> -> memref<1x4096xi32, #tpu.memory_space<vmem>>
        %dma_wait3A_163 = tpu.memref_squeeze %dma_wait3A_162 : memref<1x4096xi32, #tpu.memory_space<vmem>> -> memref<4096xi32, #tpu.memory_space<vmem>>
        %dma_wait3A_164 = tpu.memref_slice %arg5[%mul3A_159] : memref<204800xi32, #tpu.memory_space<vmem_shared>> -> memref<4096xi32, #tpu.memory_space<vmem_shared>>
        %dma_wait3A_165 = arith.constant 0 : i32
        %dma_wait3A_166 = tpu.memref_slice %arg7[%dma_wait3A_160, %dma_wait3A_165] : memref<2x4096xi32, #tpu.memory_space<vmem>> -> memref<1x4096xi32, #tpu.memory_space<vmem>>
        %dma_wait3A_167 = tpu.memref_squeeze %dma_wait3A_166 : memref<1x4096xi32, #tpu.memory_space<vmem>> -> memref<4096xi32, #tpu.memory_space<vmem>>
        %dma_wait3A_168 = tpu.memref_slice %arg5[%mul3A_159] : memref<204800xi32, #tpu.memory_space<vmem_shared>> -> memref<4096xi32, #tpu.memory_space<vmem_shared>>
        tpu.wait_dma2 semaphore(%arg10 : memref<!tpu.dma_semaphore, #tpu.memory_space<semaphore_mem>>) src(%dma_wait3A_168 : memref<4096xi32, #tpu.memory_space<vmem_shared>>) dst(%dma_wait3A_167 : memref<4096xi32, #tpu.memory_space<vmem>>)
        %ge3A_169 = arith.constant 2 : i32
        %ge3A_170 = arith.cmpi sge, %add3A_157, %ge3A_169 : i32
        %convert_element_type3A_171 = arith.extui %ge3A_170 : i1 to i32
        %cond3A_172 = arith.constant 0 : i32
        %cond3A_173 = arith.cmpi ne, %convert_element_type3A_171, %cond3A_172 : i32
        scf.if %cond3A_173 {
          %sub3A = arith.constant 2 : i32
          %sub3A_199 = arith.subi %add3A_157, %sub3A : i32
          %mul3A_200 = arith.constant 4096 : i32
          %mul3A_201 = arith.muli %sub3A_199, %mul3A_200 : i32
          %add3A_202 = arith.constant 0 : i32
          %add3A_203 = arith.addi %add3A_202, %mul3A_201 : i32
          %dma_wait3A_204 = arith.constant 1 : i32
          %dma_wait3A_205 = arith.constant 0 : i32
          %dma_wait3A_206 = tpu.memref_slice %arg8[%dma_wait3A_204, %dma_wait3A_205] : memref<2x4096xf32, #tpu.memory_space<vmem>> -> memref<1x4096xf32, #tpu.memory_space<vmem>>
          %dma_wait3A_207 = tpu.memref_squeeze %dma_wait3A_206 : memref<1x4096xf32, #tpu.memory_space<vmem>> -> memref<4096xf32, #tpu.memory_space<vmem>>
          %dma_wait3A_208 = tpu.memref_slice %arg4[%add3A, %add3A_203] : memref<25x819200xf32, #tpu.memory_space<hbm>> -> memref<1x4096xf32, #tpu.memory_space<hbm>>
          %dma_wait3A_209 = tpu.memref_squeeze %dma_wait3A_208 : memref<1x4096xf32, #tpu.memory_space<hbm>> -> memref<4096xf32, #tpu.memory_space<hbm>>
          %dma_wait3A_210 = tpu.memref_slice %arg4[%add3A, %add3A_203] : memref<25x819200xf32, #tpu.memory_space<hbm>> -> memref<1x4096xf32, #tpu.memory_space<hbm>>
          %dma_wait3A_211 = tpu.memref_squeeze %dma_wait3A_210 : memref<1x4096xf32, #tpu.memory_space<hbm>> -> memref<4096xf32, #tpu.memory_space<hbm>>
          %dma_wait3A_212 = arith.constant 0 : i32
          %dma_wait3A_213 = tpu.memref_slice %arg8[%dma_wait3A_204, %dma_wait3A_212] : memref<2x4096xf32, #tpu.memory_space<vmem>> -> memref<1x4096xf32, #tpu.memory_space<vmem>>
          %dma_wait3A_214 = tpu.memref_squeeze %dma_wait3A_213 : memref<1x4096xf32, #tpu.memory_space<vmem>> -> memref<4096xf32, #tpu.memory_space<vmem>>
          tpu.wait_dma2 semaphore(%arg12 : memref<!tpu.dma_semaphore, #tpu.memory_space<semaphore_mem>>) src(%dma_wait3A_214 : memref<4096xf32, #tpu.memory_space<vmem>>) dst(%dma_wait3A_211 : memref<4096xf32, #tpu.memory_space<hbm>>)
        } else {
        }
        %parallel_loop3A_174 = arith.constant 0 : i32
        %parallel_loop3A_175 = arith.constant 256 : i32
        %parallel_loop3A_176 = arith.constant 1 : i32
        scf.for %parallel_loop3A_199 = %parallel_loop3A_174 to %parallel_loop3A_175 step %parallel_loop3A_176  : i32 {
          %parallel_loop3A_200 = arith.constant 16 : i32
          %parallel_loop3A_201 = arith.muli %parallel_loop3A_199, %parallel_loop3A_200 : i32
          %parallel_loop3A_202 = arith.constant 1 : i32
          %parallel_loop3A_203 = arith.index_cast %parallel_loop3A_202 : i32 to index
          %parallel_loop3A_204 = arith.index_cast %parallel_loop3A_201 : i32 to index
          %parallel_loop3A_205 = tpu.vector_load %arg7[%parallel_loop3A_203, %parallel_loop3A_204] {strides = array<i32>} : memref<2x4096xi32, #tpu.memory_space<vmem>>, vector<16xi32>,
          %parallel_loop3A_206 = tpu.vector_load_idx %arg6[%parallel_loop3A_205] : memref<100000xf32, #tpu.memory_space<vmem>>[vector<16xi32>], vector<16xf32>,
          %parallel_loop3A_207 = arith.constant 16 : i32
          %parallel_loop3A_208 = arith.muli %parallel_loop3A_199, %parallel_loop3A_207 : i32
          %parallel_loop3A_209 = arith.constant 1 : i32
          %parallel_loop3A_210 = arith.index_cast %parallel_loop3A_209 : i32 to index
          %parallel_loop3A_211 = arith.index_cast %parallel_loop3A_208 : i32 to index
          %parallel_loop3A_212 = tpu.vector_load %arg8[%parallel_loop3A_210, %parallel_loop3A_211] {strides = array<i32>} : memref<2x4096xf32, #tpu.memory_space<vmem>>, vector<16xf32>,
          tpu.vector_store %arg8[%parallel_loop3A_210, %parallel_loop3A_211], %parallel_loop3A_206 {strides = array<i32>} : memref<2x4096xf32, #tpu.memory_space<vmem>>, vector<16xf32>,
        } {sc.loop_unroll_factor = 16 : i64, sc.parallel_access}
        %mul3A_177 = arith.constant 4096 : i32
        %mul3A_178 = arith.muli %add3A_157, %mul3A_177 : i32
        %add3A_179 = arith.constant 0 : i32
        %add3A_180 = arith.addi %add3A_179, %mul3A_178 : i32
        %dma_start3A_181 = arith.constant 1 : i32
        %dma_start3A_182 = arith.constant 0 : i32
        %dma_start3A_183 = tpu.memref_slice %arg8[%dma_start3A_181, %dma_start3A_182] : memref<2x4096xf32, #tpu.memory_space<vmem>> -> memref<1x4096xf32, #tpu.memory_space<vmem>>
        %dma_start3A_184 = tpu.memref_squeeze %dma_start3A_183 : memref<1x4096xf32, #tpu.memory_space<vmem>> -> memref<4096xf32, #tpu.memory_space<vmem>>
        %dma_start3A_185 = tpu.memref_slice %arg4[%add3A, %add3A_180] : memref<25x819200xf32, #tpu.memory_space<hbm>> -> memref<1x4096xf32, #tpu.memory_space<hbm>>
        %dma_start3A_186 = tpu.memref_squeeze %dma_start3A_185 : memref<1x4096xf32, #tpu.memory_space<hbm>> -> memref<4096xf32, #tpu.memory_space<hbm>>
        %dma_start3A_187 = tpu.memref_slice %arg4[%add3A, %add3A_180] : memref<25x819200xf32, #tpu.memory_space<hbm>> -> memref<1x4096xf32, #tpu.memory_space<hbm>>
        %dma_start3A_188 = tpu.memref_squeeze %dma_start3A_187 : memref<1x4096xf32, #tpu.memory_space<hbm>> -> memref<4096xf32, #tpu.memory_space<hbm>>
        %dma_start3A_189 = arith.constant 0 : i32
        %dma_start3A_190 = tpu.memref_slice %arg8[%dma_start3A_181, %dma_start3A_189] : memref<2x4096xf32, #tpu.memory_space<vmem>> -> memref<1x4096xf32, #tpu.memory_space<vmem>>
        %dma_start3A_191 = tpu.memref_squeeze %dma_start3A_190 : memref<1x4096xf32, #tpu.memory_space<vmem>> -> memref<4096xf32, #tpu.memory_space<vmem>>
        tpu.enqueue_dma source(%dma_start3A_191 : memref<4096xf32, #tpu.memory_space<vmem>>) target(%dma_start3A_188 : memref<4096xf32, #tpu.memory_space<hbm>>) target_semaphore(%arg12 : memref<!tpu.dma_semaphore, #tpu.memory_space<semaphore_mem>>)
        %add3A_192 = arith.constant 2 : i32
        %add3A_193 = arith.addi %add3A_157, %add3A_192 : i32
        %lt3A_194 = arith.constant 50 : i32
        %lt3A_195 = arith.cmpi slt, %add3A_193, %lt3A_194 : i32
        %convert_element_type3A_196 = arith.extui %lt3A_195 : i1 to i32
        %cond3A_197 = arith.constant 0 : i32
        %cond3A_198 = arith.cmpi ne, %convert_element_type3A_196, %cond3A_197 : i32
        scf.if %cond3A_198 {
          %add3A_199 = arith.constant 2 : i32
          %add3A_200 = arith.addi %add3A_157, %add3A_199 : i32
          %mul3A_201 = arith.constant 4096 : i32
          %mul3A_202 = arith.muli %add3A_200, %mul3A_201 : i32
          %dma_start3A_203 = arith.constant 1 : i32
          %dma_start3A_204 = arith.constant 0 : i32
          %dma_start3A_205 = tpu.memref_slice %arg7[%dma_start3A_203, %dma_start3A_204] : memref<2x4096xi32, #tpu.memory_space<vmem>> -> memref<1x4096xi32, #tpu.memory_space<vmem>>
          %dma_start3A_206 = tpu.memref_squeeze %dma_start3A_205 : memref<1x4096xi32, #tpu.memory_space<vmem>> -> memref<4096xi32, #tpu.memory_space<vmem>>
          %dma_start3A_207 = tpu.memref_slice %arg5[%mul3A_202] : memref<204800xi32, #tpu.memory_space<vmem_shared>> -> memref<4096xi32, #tpu.memory_space<vmem_shared>>
          %dma_start3A_208 = arith.constant 0 : i32
          %dma_start3A_209 = tpu.memref_slice %arg7[%dma_start3A_203, %dma_start3A_208] : memref<2x4096xi32, #tpu.memory_space<vmem>> -> memref<1x4096xi32, #tpu.memory_space<vmem>>
          %dma_start3A_210 = tpu.memref_squeeze %dma_start3A_209 : memref<1x4096xi32, #tpu.memory_space<vmem>> -> memref<4096xi32, #tpu.memory_space<vmem>>
          %dma_start3A_211 = tpu.memref_slice %arg5[%mul3A_202] : memref<204800xi32, #tpu.memory_space<vmem_shared>> -> memref<4096xi32, #tpu.memory_space<vmem_shared>>
          tpu.enqueue_dma source(%dma_start3A_211 : memref<4096xi32, #tpu.memory_space<vmem_shared>>) target(%dma_start3A_210 : memref<4096xi32, #tpu.memory_space<vmem>>) target_semaphore(%arg10 : memref<!tpu.dma_semaphore, #tpu.memory_space<semaphore_mem>>)
        } else {
        }
      }
      %scan3A_84 = arith.constant 25 : i32
      %dma_wait3A = arith.constant 0 : i32
      %dma_wait3A_85 = arith.constant 0 : i32
      %dma_wait3A_86 = tpu.memref_slice %arg8[%dma_wait3A, %dma_wait3A_85] : memref<2x4096xf32, #tpu.memory_space<vmem>> -> memref<1x4096xf32, #tpu.memory_space<vmem>>
      %dma_wait3A_87 = tpu.memref_squeeze %dma_wait3A_86 : memref<1x4096xf32, #tpu.memory_space<vmem>> -> memref<4096xf32, #tpu.memory_space<vmem>>
      %dma_wait3A_88 = arith.constant 196608 : i32
      %dma_wait3A_89 = tpu.memref_slice %arg4[%add3A, %dma_wait3A_88] : memref<25x819200xf32, #tpu.memory_space<hbm>> -> memref<1x4096xf32, #tpu.memory_space<hbm>>
      %dma_wait3A_90 = tpu.memref_squeeze %dma_wait3A_89 : memref<1x4096xf32, #tpu.memory_space<hbm>> -> memref<4096xf32, #tpu.memory_space<hbm>>
      %dma_wait3A_91 = arith.constant 196608 : i32
      %dma_wait3A_92 = tpu.memref_slice %arg4[%add3A, %dma_wait3A_91] : memref<25x819200xf32, #tpu.memory_space<hbm>> -> memref<1x4096xf32, #tpu.memory_space<hbm>>
      %dma_wait3A_93 = tpu.memref_squeeze %dma_wait3A_92 : memref<1x4096xf32, #tpu.memory_space<hbm>> -> memref<4096xf32, #tpu.memory_space<hbm>>
      %dma_wait3A_94 = arith.constant 0 : i32
      %dma_wait3A_95 = tpu.memref_slice %arg8[%dma_wait3A, %dma_wait3A_94] : memref<2x4096xf32, #tpu.memory_space<vmem>> -> memref<1x4096xf32, #tpu.memory_space<vmem>>
      %dma_wait3A_96 = tpu.memref_squeeze %dma_wait3A_95 : memref<1x4096xf32, #tpu.memory_space<vmem>> -> memref<4096xf32, #tpu.memory_space<vmem>>
      tpu.wait_dma2 semaphore(%arg11 : memref<!tpu.dma_semaphore, #tpu.memory_space<semaphore_mem>>) src(%dma_wait3A_96 : memref<4096xf32, #tpu.memory_space<vmem>>) dst(%dma_wait3A_93 : memref<4096xf32, #tpu.memory_space<hbm>>)
      %dma_wait3A_97 = arith.constant 1 : i32
      %dma_wait3A_98 = arith.constant 0 : i32
      %dma_wait3A_99 = tpu.memref_slice %arg8[%dma_wait3A_97, %dma_wait3A_98] : memref<2x4096xf32, #tpu.memory_space<vmem>> -> memref<1x4096xf32, #tpu.memory_space<vmem>>
      %dma_wait3A_100 = tpu.memref_squeeze %dma_wait3A_99 : memref<1x4096xf32, #tpu.memory_space<vmem>> -> memref<4096xf32, #tpu.memory_space<vmem>>
      %dma_wait3A_101 = arith.constant 200704 : i32
      %dma_wait3A_102 = tpu.memref_slice %arg4[%add3A, %dma_wait3A_101] : memref<25x819200xf32, #tpu.memory_space<hbm>> -> memref<1x4096xf32, #tpu.memory_space<hbm>>
      %dma_wait3A_103 = tpu.memref_squeeze %dma_wait3A_102 : memref<1x4096xf32, #tpu.memory_space<hbm>> -> memref<4096xf32, #tpu.memory_space<hbm>>
      %dma_wait3A_104 = arith.constant 200704 : i32
      %dma_wait3A_105 = tpu.memref_slice %arg4[%add3A, %dma_wait3A_104] : memref<25x819200xf32, #tpu.memory_space<hbm>> -> memref<1x4096xf32, #tpu.memory_space<hbm>>
      %dma_wait3A_106 = tpu.memref_squeeze %dma_wait3A_105 : memref<1x4096xf32, #tpu.memory_space<hbm>> -> memref<4096xf32, #tpu.memory_space<hbm>>
      %dma_wait3A_107 = arith.constant 0 : i32
      %dma_wait3A_108 = tpu.memref_slice %arg8[%dma_wait3A_97, %dma_wait3A_107] : memref<2x4096xf32, #tpu.memory_space<vmem>> -> memref<1x4096xf32, #tpu.memory_space<vmem>>
      %dma_wait3A_109 = tpu.memref_squeeze %dma_wait3A_108 : memref<1x4096xf32, #tpu.memory_space<vmem>> -> memref<4096xf32, #tpu.memory_space<vmem>>
      tpu.wait_dma2 semaphore(%arg12 : memref<!tpu.dma_semaphore, #tpu.memory_space<semaphore_mem>>) src(%dma_wait3A_109 : memref<4096xf32, #tpu.memory_space<vmem>>) dst(%dma_wait3A_106 : memref<4096xf32, #tpu.memory_space<hbm>>)
    } else {
    }
    %barrier3A_19 = arith.constant 0 : index
    tpu.barrier barrier_id(%barrier3A_19)
    %mul3A_20 = arith.constant 12800 : i32
    %mul3A_21 = arith.muli %arg1, %mul3A_20 : i32
    %add3A_22 = arith.constant 204800 : i32
    %add3A_23 = arith.addi %add3A_22, %mul3A_21 : i32
    %mul3A_24 = arith.constant 12800 : i32
    %mul3A_25 = arith.muli %arg1, %mul3A_24 : i32
    "tpu.region"() ({
      %run_scoped3A = tpu.sem_alloc : memref<!tpu.dma_semaphore, #tpu.memory_space<semaphore_mem>>
      %dma_start3A = tpu.memref_slice %arg5[%mul3A_25] : memref<204800xi32, #tpu.memory_space<vmem_shared>> -> memref<12800xi32, #tpu.memory_space<vmem_shared>>
      %dma_start3A_59 = tpu.memref_slice %arg3[%add3A_23] : memref<819200xi32, #tpu.memory_space<hbm>> -> memref<12800xi32, #tpu.memory_space<hbm>>
      tpu.enqueue_dma source(%dma_start3A_59 : memref<12800xi32, #tpu.memory_space<hbm>>) target(%dma_start3A : memref<12800xi32, #tpu.memory_space<vmem_shared>>) target_semaphore(%run_scoped3A : memref<!tpu.dma_semaphore, #tpu.memory_space<semaphore_mem>>)
      %dma_wait3A = tpu.memref_slice %arg5[%mul3A_25] : memref<204800xi32, #tpu.memory_space<vmem_shared>> -> memref<12800xi32, #tpu.memory_space<vmem_shared>>
      %dma_wait3A_60 = tpu.memref_slice %arg3[%add3A_23] : memref<819200xi32, #tpu.memory_space<hbm>> -> memref<12800xi32, #tpu.memory_space<hbm>>
      tpu.wait_dma2 semaphore(%run_scoped3A : memref<!tpu.dma_semaphore, #tpu.memory_space<semaphore_mem>>) src(%dma_wait3A_60 : memref<12800xi32, #tpu.memory_space<hbm>>) dst(%dma_wait3A : memref<12800xi32, #tpu.memory_space<vmem_shared>>)
      tpu.yield
    }) : () -> ()
    %barrier3A_26 = arith.constant 0 : index
    tpu.barrier barrier_id(%barrier3A_26)
    %lt3A_27 = arith.constant 25 : i32
    %lt3A_28 = arith.cmpi slt, %add3A, %lt3A_27 : i32
    %convert_element_type3A_29 = arith.extui %lt3A_28 : i1 to i32
    %cond3A_30 = arith.constant 0 : i32
    %cond3A_31 = arith.cmpi ne, %convert_element_type3A_29, %cond3A_30 : i32
    scf.if %cond3A_31 {
      %dma_start3A = arith.constant 0 : i32
      %dma_start3A_59 = arith.constant 0 : i32
      %dma_start3A_60 = tpu.memref_slice %arg7[%dma_start3A, %dma_start3A_59] : memref<2x4096xi32, #tpu.memory_space<vmem>> -> memref<1x4096xi32, #tpu.memory_space<vmem>>
      %dma_start3A_61 = tpu.memref_squeeze %dma_start3A_60 : memref<1x4096xi32, #tpu.memory_space<vmem>> -> memref<4096xi32, #tpu.memory_space<vmem>>
      %dma_start3A_62 = arith.constant 0 : i32
      %dma_start3A_63 = tpu.memref_slice %arg5[%dma_start3A_62] : memref<204800xi32, #tpu.memory_space<vmem_shared>> -> memref<4096xi32, #tpu.memory_space<vmem_shared>>
      %dma_start3A_64 = arith.constant 0 : i32
      %dma_start3A_65 = tpu.memref_slice %arg7[%dma_start3A, %dma_start3A_64] : memref<2x4096xi32, #tpu.memory_space<vmem>> -> memref<1x4096xi32, #tpu.memory_space<vmem>>
      %dma_start3A_66 = tpu.memref_squeeze %dma_start3A_65 : memref<1x4096xi32, #tpu.memory_space<vmem>> -> memref<4096xi32, #tpu.memory_space<vmem>>
      %dma_start3A_67 = arith.constant 0 : i32
      %dma_start3A_68 = tpu.memref_slice %arg5[%dma_start3A_67] : memref<204800xi32, #tpu.memory_space<vmem_shared>> -> memref<4096xi32, #tpu.memory_space<vmem_shared>>
      tpu.enqueue_dma source(%dma_start3A_68 : memref<4096xi32, #tpu.memory_space<vmem_shared>>) target(%dma_start3A_66 : memref<4096xi32, #tpu.memory_space<vmem>>) target_semaphore(%arg9 : memref<!tpu.dma_semaphore, #tpu.memory_space<semaphore_mem>>)
      %dma_start3A_69 = arith.constant 1 : i32
      %dma_start3A_70 = arith.constant 0 : i32
      %dma_start3A_71 = tpu.memref_slice %arg7[%dma_start3A_69, %dma_start3A_70] : memref<2x4096xi32, #tpu.memory_space<vmem>> -> memref<1x4096xi32, #tpu.memory_space<vmem>>
      %dma_start3A_72 = tpu.memref_squeeze %dma_start3A_71 : memref<1x4096xi32, #tpu.memory_space<vmem>> -> memref<4096xi32, #tpu.memory_space<vmem>>
      %dma_start3A_73 = arith.constant 4096 : i32
      %dma_start3A_74 = tpu.memref_slice %arg5[%dma_start3A_73] : memref<204800xi32, #tpu.memory_space<vmem_shared>> -> memref<4096xi32, #tpu.memory_space<vmem_shared>>
      %dma_start3A_75 = arith.constant 0 : i32
      %dma_start3A_76 = tpu.memref_slice %arg7[%dma_start3A_69, %dma_start3A_75] : memref<2x4096xi32, #tpu.memory_space<vmem>> -> memref<1x4096xi32, #tpu.memory_space<vmem>>
      %dma_start3A_77 = tpu.memref_squeeze %dma_start3A_76 : memref<1x4096xi32, #tpu.memory_space<vmem>> -> memref<4096xi32, #tpu.memory_space<vmem>>
      %dma_start3A_78 = arith.constant 4096 : i32
      %dma_start3A_79 = tpu.memref_slice %arg5[%dma_start3A_78] : memref<204800xi32, #tpu.memory_space<vmem_shared>> -> memref<4096xi32, #tpu.memory_space<vmem_shared>>
      tpu.enqueue_dma source(%dma_start3A_79 : memref<4096xi32, #tpu.memory_space<vmem_shared>>) target(%dma_start3A_77 : memref<4096xi32, #tpu.memory_space<vmem>>) target_semaphore(%arg10 : memref<!tpu.dma_semaphore, #tpu.memory_space<semaphore_mem>>)
      %scan3A = arith.constant 0 : i32
      %scan3A_80 = arith.constant 0 : i32
      %scan3A_81 = arith.constant 25 : i32
      %scan3A_82 = arith.addi %scan3A_80, %scan3A_81 : i32
      %scan3A_83 = arith.constant 1 : i32
      scf.for %scan3A_110 = %scan3A_80 to %scan3A_82 step %scan3A_83  : i32 {
        %mul3A_111 = arith.constant 2 : i32
        %mul3A_112 = arith.muli %scan3A_110, %mul3A_111 : i32
        %add3A_113 = arith.constant 0 : i32
        %add3A_114 = arith.addi %mul3A_112, %add3A_113 : i32
        %mul3A_115 = arith.constant 4096 : i32
        %mul3A_116 = arith.muli %add3A_114, %mul3A_115 : i32
        %dma_wait3A_117 = arith.constant 0 : i32
        %dma_wait3A_118 = arith.constant 0 : i32
        %dma_wait3A_119 = tpu.memref_slice %arg7[%dma_wait3A_117, %dma_wait3A_118] : memref<2x4096xi32, #tpu.memory_space<vmem>> -> memref<1x4096xi32, #tpu.memory_space<vmem>>
        %dma_wait3A_120 = tpu.memref_squeeze %dma_wait3A_119 : memref<1x4096xi32, #tpu.memory_space<vmem>> -> memref<4096xi32, #tpu.memory_space<vmem>>
        %dma_wait3A_121 = tpu.memref_slice %arg5[%mul3A_116] : memref<204800xi32, #tpu.memory_space<vmem_shared>> -> memref<4096xi32, #tpu.memory_space<vmem_shared>>
        %dma_wait3A_122 = arith.constant 0 : i32
        %dma_wait3A_123 = tpu.memref_slice %arg7[%dma_wait3A_117, %dma_wait3A_122] : memref<2x4096xi32, #tpu.memory_space<vmem>> -> memref<1x4096xi32, #tpu.memory_space<vmem>>
        %dma_wait3A_124 = tpu.memref_squeeze %dma_wait3A_123 : memref<1x4096xi32, #tpu.memory_space<vmem>> -> memref<4096xi32, #tpu.memory_space<vmem>>
        %dma_wait3A_125 = tpu.memref_slice %arg5[%mul3A_116] : memref<204800xi32, #tpu.memory_space<vmem_shared>> -> memref<4096xi32, #tpu.memory_space<vmem_shared>>
        tpu.wait_dma2 semaphore(%arg9 : memref<!tpu.dma_semaphore, #tpu.memory_space<semaphore_mem>>) src(%dma_wait3A_125 : memref<4096xi32, #tpu.memory_space<vmem_shared>>) dst(%dma_wait3A_124 : memref<4096xi32, #tpu.memory_space<vmem>>)
        %ge3A = arith.constant 2 : i32
        %ge3A_126 = arith.cmpi sge, %add3A_114, %ge3A : i32
        %convert_element_type3A_127 = arith.extui %ge3A_126 : i1 to i32
        %cond3A_128 = arith.constant 0 : i32
        %cond3A_129 = arith.cmpi ne, %convert_element_type3A_127, %cond3A_128 : i32
        scf.if %cond3A_129 {
          %sub3A = arith.constant 2 : i32
          %sub3A_199 = arith.subi %add3A_114, %sub3A : i32
          %mul3A_200 = arith.constant 4096 : i32
          %mul3A_201 = arith.muli %sub3A_199, %mul3A_200 : i32
          %add3A_202 = arith.constant 204800 : i32
          %add3A_203 = arith.addi %add3A_202, %mul3A_201 : i32
          %dma_wait3A_204 = arith.constant 0 : i32
          %dma_wait3A_205 = arith.constant 0 : i32
          %dma_wait3A_206 = tpu.memref_slice %arg8[%dma_wait3A_204, %dma_wait3A_205] : memref<2x4096xf32, #tpu.memory_space<vmem>> -> memref<1x4096xf32, #tpu.memory_space<vmem>>
          %dma_wait3A_207 = tpu.memref_squeeze %dma_wait3A_206 : memref<1x4096xf32, #tpu.memory_space<vmem>> -> memref<4096xf32, #tpu.memory_space<vmem>>
          %dma_wait3A_208 = tpu.memref_slice %arg4[%add3A, %add3A_203] : memref<25x819200xf32, #tpu.memory_space<hbm>> -> memref<1x4096xf32, #tpu.memory_space<hbm>>
          %dma_wait3A_209 = tpu.memref_squeeze %dma_wait3A_208 : memref<1x4096xf32, #tpu.memory_space<hbm>> -> memref<4096xf32, #tpu.memory_space<hbm>>
          %dma_wait3A_210 = tpu.memref_slice %arg4[%add3A, %add3A_203] : memref<25x819200xf32, #tpu.memory_space<hbm>> -> memref<1x4096xf32, #tpu.memory_space<hbm>>
          %dma_wait3A_211 = tpu.memref_squeeze %dma_wait3A_210 : memref<1x4096xf32, #tpu.memory_space<hbm>> -> memref<4096xf32, #tpu.memory_space<hbm>>
          %dma_wait3A_212 = arith.constant 0 : i32
          %dma_wait3A_213 = tpu.memref_slice %arg8[%dma_wait3A_204, %dma_wait3A_212] : memref<2x4096xf32, #tpu.memory_space<vmem>> -> memref<1x4096xf32, #tpu.memory_space<vmem>>
          %dma_wait3A_214 = tpu.memref_squeeze %dma_wait3A_213 : memref<1x4096xf32, #tpu.memory_space<vmem>> -> memref<4096xf32, #tpu.memory_space<vmem>>
          tpu.wait_dma2 semaphore(%arg11 : memref<!tpu.dma_semaphore, #tpu.memory_space<semaphore_mem>>) src(%dma_wait3A_214 : memref<4096xf32, #tpu.memory_space<vmem>>) dst(%dma_wait3A_211 : memref<4096xf32, #tpu.memory_space<hbm>>)
        } else {
        }
        %parallel_loop3A = arith.constant 0 : i32
        %parallel_loop3A_130 = arith.constant 256 : i32
        %parallel_loop3A_131 = arith.constant 1 : i32
        scf.for %parallel_loop3A_199 = %parallel_loop3A to %parallel_loop3A_130 step %parallel_loop3A_131  : i32 {
          %parallel_loop3A_200 = arith.constant 16 : i32
          %parallel_loop3A_201 = arith.muli %parallel_loop3A_199, %parallel_loop3A_200 : i32
          %parallel_loop3A_202 = arith.constant 0 : i32
          %parallel_loop3A_203 = arith.index_cast %parallel_loop3A_202 : i32 to index
          %parallel_loop3A_204 = arith.index_cast %parallel_loop3A_201 : i32 to index
          %parallel_loop3A_205 = tpu.vector_load %arg7[%parallel_loop3A_203, %parallel_loop3A_204] {strides = array<i32>} : memref<2x4096xi32, #tpu.memory_space<vmem>>, vector<16xi32>,
          %parallel_loop3A_206 = tpu.vector_load_idx %arg6[%parallel_loop3A_205] : memref<100000xf32, #tpu.memory_space<vmem>>[vector<16xi32>], vector<16xf32>,
          %parallel_loop3A_207 = arith.constant 16 : i32
          %parallel_loop3A_208 = arith.muli %parallel_loop3A_199, %parallel_loop3A_207 : i32
          %parallel_loop3A_209 = arith.constant 0 : i32
          %parallel_loop3A_210 = arith.index_cast %parallel_loop3A_209 : i32 to index
          %parallel_loop3A_211 = arith.index_cast %parallel_loop3A_208 : i32 to index
          %parallel_loop3A_212 = tpu.vector_load %arg8[%parallel_loop3A_210, %parallel_loop3A_211] {strides = array<i32>} : memref<2x4096xf32, #tpu.memory_space<vmem>>, vector<16xf32>,
          tpu.vector_store %arg8[%parallel_loop3A_210, %parallel_loop3A_211], %parallel_loop3A_206 {strides = array<i32>} : memref<2x4096xf32, #tpu.memory_space<vmem>>, vector<16xf32>,
        } {sc.loop_unroll_factor = 16 : i64, sc.parallel_access}
        %mul3A_132 = arith.constant 4096 : i32
        %mul3A_133 = arith.muli %add3A_114, %mul3A_132 : i32
        %add3A_134 = arith.constant 204800 : i32
        %add3A_135 = arith.addi %add3A_134, %mul3A_133 : i32
        %dma_start3A_136 = arith.constant 0 : i32
        %dma_start3A_137 = arith.constant 0 : i32
        %dma_start3A_138 = tpu.memref_slice %arg8[%dma_start3A_136, %dma_start3A_137] : memref<2x4096xf32, #tpu.memory_space<vmem>> -> memref<1x4096xf32, #tpu.memory_space<vmem>>
        %dma_start3A_139 = tpu.memref_squeeze %dma_start3A_138 : memref<1x4096xf32, #tpu.memory_space<vmem>> -> memref<4096xf32, #tpu.memory_space<vmem>>
        %dma_start3A_140 = tpu.memref_slice %arg4[%add3A, %add3A_135] : memref<25x819200xf32, #tpu.memory_space<hbm>> -> memref<1x4096xf32, #tpu.memory_space<hbm>>
        %dma_start3A_141 = tpu.memref_squeeze %dma_start3A_140 : memref<1x4096xf32, #tpu.memory_space<hbm>> -> memref<4096xf32, #tpu.memory_space<hbm>>
        %dma_start3A_142 = tpu.memref_slice %arg4[%add3A, %add3A_135] : memref<25x819200xf32, #tpu.memory_space<hbm>> -> memref<1x4096xf32, #tpu.memory_space<hbm>>
        %dma_start3A_143 = tpu.memref_squeeze %dma_start3A_142 : memref<1x4096xf32, #tpu.memory_space<hbm>> -> memref<4096xf32, #tpu.memory_space<hbm>>
        %dma_start3A_144 = arith.constant 0 : i32
        %dma_start3A_145 = tpu.memref_slice %arg8[%dma_start3A_136, %dma_start3A_144] : memref<2x4096xf32, #tpu.memory_space<vmem>> -> memref<1x4096xf32, #tpu.memory_space<vmem>>
        %dma_start3A_146 = tpu.memref_squeeze %dma_start3A_145 : memref<1x4096xf32, #tpu.memory_space<vmem>> -> memref<4096xf32, #tpu.memory_space<vmem>>
        tpu.enqueue_dma source(%dma_start3A_146 : memref<4096xf32, #tpu.memory_space<vmem>>) target(%dma_start3A_143 : memref<4096xf32, #tpu.memory_space<hbm>>) target_semaphore(%arg11 : memref<!tpu.dma_semaphore, #tpu.memory_space<semaphore_mem>>)
        %add3A_147 = arith.constant 2 : i32
        %add3A_148 = arith.addi %add3A_114, %add3A_147 : i32
        %lt3A_149 = arith.constant 50 : i32
        %lt3A_150 = arith.cmpi slt, %add3A_148, %lt3A_149 : i32
        %convert_element_type3A_151 = arith.extui %lt3A_150 : i1 to i32
        %cond3A_152 = arith.constant 0 : i32
        %cond3A_153 = arith.cmpi ne, %convert_element_type3A_151, %cond3A_152 : i32
        scf.if %cond3A_153 {
          %add3A_199 = arith.constant 2 : i32
          %add3A_200 = arith.addi %add3A_114, %add3A_199 : i32
          %mul3A_201 = arith.constant 4096 : i32
          %mul3A_202 = arith.muli %add3A_200, %mul3A_201 : i32
          %dma_start3A_203 = arith.constant 0 : i32
          %dma_start3A_204 = arith.constant 0 : i32
          %dma_start3A_205 = tpu.memref_slice %arg7[%dma_start3A_203, %dma_start3A_204] : memref<2x4096xi32, #tpu.memory_space<vmem>> -> memref<1x4096xi32, #tpu.memory_space<vmem>>
          %dma_start3A_206 = tpu.memref_squeeze %dma_start3A_205 : memref<1x4096xi32, #tpu.memory_space<vmem>> -> memref<4096xi32, #tpu.memory_space<vmem>>
          %dma_start3A_207 = tpu.memref_slice %arg5[%mul3A_202] : memref<204800xi32, #tpu.memory_space<vmem_shared>> -> memref<4096xi32, #tpu.memory_space<vmem_shared>>
          %dma_start3A_208 = arith.constant 0 : i32
          %dma_start3A_209 = tpu.memref_slice %arg7[%dma_start3A_203, %dma_start3A_208] : memref<2x4096xi32, #tpu.memory_space<vmem>> -> memref<1x4096xi32, #tpu.memory_space<vmem>>
          %dma_start3A_210 = tpu.memref_squeeze %dma_start3A_209 : memref<1x4096xi32, #tpu.memory_space<vmem>> -> memref<4096xi32, #tpu.memory_space<vmem>>
          %dma_start3A_211 = tpu.memref_slice %arg5[%mul3A_202] : memref<204800xi32, #tpu.memory_space<vmem_shared>> -> memref<4096xi32, #tpu.memory_space<vmem_shared>>
          tpu.enqueue_dma source(%dma_start3A_211 : memref<4096xi32, #tpu.memory_space<vmem_shared>>) target(%dma_start3A_210 : memref<4096xi32, #tpu.memory_space<vmem>>) target_semaphore(%arg9 : memref<!tpu.dma_semaphore, #tpu.memory_space<semaphore_mem>>)
        } else {
        }
        %mul3A_154 = arith.constant 2 : i32
        %mul3A_155 = arith.muli %scan3A_110, %mul3A_154 : i32
        %add3A_156 = arith.constant 1 : i32
        %add3A_157 = arith.addi %mul3A_155, %add3A_156 : i32
        %mul3A_158 = arith.constant 4096 : i32
        %mul3A_159 = arith.muli %add3A_157, %mul3A_158 : i32
        %dma_wait3A_160 = arith.constant 1 : i32
        %dma_wait3A_161 = arith.constant 0 : i32
        %dma_wait3A_162 = tpu.memref_slice %arg7[%dma_wait3A_160, %dma_wait3A_161] : memref<2x4096xi32, #tpu.memory_space<vmem>> -> memref<1x4096xi32, #tpu.memory_space<vmem>>
        %dma_wait3A_163 = tpu.memref_squeeze %dma_wait3A_162 : memref<1x4096xi32, #tpu.memory_space<vmem>> -> memref<4096xi32, #tpu.memory_space<vmem>>
        %dma_wait3A_164 = tpu.memref_slice %arg5[%mul3A_159] : memref<204800xi32, #tpu.memory_space<vmem_shared>> -> memref<4096xi32, #tpu.memory_space<vmem_shared>>
        %dma_wait3A_165 = arith.constant 0 : i32
        %dma_wait3A_166 = tpu.memref_slice %arg7[%dma_wait3A_160, %dma_wait3A_165] : memref<2x4096xi32, #tpu.memory_space<vmem>> -> memref<1x4096xi32, #tpu.memory_space<vmem>>
        %dma_wait3A_167 = tpu.memref_squeeze %dma_wait3A_166 : memref<1x4096xi32, #tpu.memory_space<vmem>> -> memref<4096xi32, #tpu.memory_space<vmem>>
        %dma_wait3A_168 = tpu.memref_slice %arg5[%mul3A_159] : memref<204800xi32, #tpu.memory_space<vmem_shared>> -> memref<4096xi32, #tpu.memory_space<vmem_shared>>
        tpu.wait_dma2 semaphore(%arg10 : memref<!tpu.dma_semaphore, #tpu.memory_space<semaphore_mem>>) src(%dma_wait3A_168 : memref<4096xi32, #tpu.memory_space<vmem_shared>>) dst(%dma_wait3A_167 : memref<4096xi32, #tpu.memory_space<vmem>>)
        %ge3A_169 = arith.constant 2 : i32
        %ge3A_170 = arith.cmpi sge, %add3A_157, %ge3A_169 : i32
        %convert_element_type3A_171 = arith.extui %ge3A_170 : i1 to i32
        %cond3A_172 = arith.constant 0 : i32
        %cond3A_173 = arith.cmpi ne, %convert_element_type3A_171, %cond3A_172 : i32
        scf.if %cond3A_173 {
          %sub3A = arith.constant 2 : i32
          %sub3A_199 = arith.subi %add3A_157, %sub3A : i32
          %mul3A_200 = arith.constant 4096 : i32
          %mul3A_201 = arith.muli %sub3A_199, %mul3A_200 : i32
          %add3A_202 = arith.constant 204800 : i32
          %add3A_203 = arith.addi %add3A_202, %mul3A_201 : i32
          %dma_wait3A_204 = arith.constant 1 : i32
          %dma_wait3A_205 = arith.constant 0 : i32
          %dma_wait3A_206 = tpu.memref_slice %arg8[%dma_wait3A_204, %dma_wait3A_205] : memref<2x4096xf32, #tpu.memory_space<vmem>> -> memref<1x4096xf32, #tpu.memory_space<vmem>>
          %dma_wait3A_207 = tpu.memref_squeeze %dma_wait3A_206 : memref<1x4096xf32, #tpu.memory_space<vmem>> -> memref<4096xf32, #tpu.memory_space<vmem>>
          %dma_wait3A_208 = tpu.memref_slice %arg4[%add3A, %add3A_203] : memref<25x819200xf32, #tpu.memory_space<hbm>> -> memref<1x4096xf32, #tpu.memory_space<hbm>>
          %dma_wait3A_209 = tpu.memref_squeeze %dma_wait3A_208 : memref<1x4096xf32, #tpu.memory_space<hbm>> -> memref<4096xf32, #tpu.memory_space<hbm>>
          %dma_wait3A_210 = tpu.memref_slice %arg4[%add3A, %add3A_203] : memref<25x819200xf32, #tpu.memory_space<hbm>> -> memref<1x4096xf32, #tpu.memory_space<hbm>>
          %dma_wait3A_211 = tpu.memref_squeeze %dma_wait3A_210 : memref<1x4096xf32, #tpu.memory_space<hbm>> -> memref<4096xf32, #tpu.memory_space<hbm>>
          %dma_wait3A_212 = arith.constant 0 : i32
          %dma_wait3A_213 = tpu.memref_slice %arg8[%dma_wait3A_204, %dma_wait3A_212] : memref<2x4096xf32, #tpu.memory_space<vmem>> -> memref<1x4096xf32, #tpu.memory_space<vmem>>
          %dma_wait3A_214 = tpu.memref_squeeze %dma_wait3A_213 : memref<1x4096xf32, #tpu.memory_space<vmem>> -> memref<4096xf32, #tpu.memory_space<vmem>>
          tpu.wait_dma2 semaphore(%arg12 : memref<!tpu.dma_semaphore, #tpu.memory_space<semaphore_mem>>) src(%dma_wait3A_214 : memref<4096xf32, #tpu.memory_space<vmem>>) dst(%dma_wait3A_211 : memref<4096xf32, #tpu.memory_space<hbm>>)
        } else {
        }
        %parallel_loop3A_174 = arith.constant 0 : i32
        %parallel_loop3A_175 = arith.constant 256 : i32
        %parallel_loop3A_176 = arith.constant 1 : i32
        scf.for %parallel_loop3A_199 = %parallel_loop3A_174 to %parallel_loop3A_175 step %parallel_loop3A_176  : i32 {
          %parallel_loop3A_200 = arith.constant 16 : i32
          %parallel_loop3A_201 = arith.muli %parallel_loop3A_199, %parallel_loop3A_200 : i32
          %parallel_loop3A_202 = arith.constant 1 : i32
          %parallel_loop3A_203 = arith.index_cast %parallel_loop3A_202 : i32 to index
          %parallel_loop3A_204 = arith.index_cast %parallel_loop3A_201 : i32 to index
          %parallel_loop3A_205 = tpu.vector_load %arg7[%parallel_loop3A_203, %parallel_loop3A_204] {strides = array<i32>} : memref<2x4096xi32, #tpu.memory_space<vmem>>, vector<16xi32>,
          %parallel_loop3A_206 = tpu.vector_load_idx %arg6[%parallel_loop3A_205] : memref<100000xf32, #tpu.memory_space<vmem>>[vector<16xi32>], vector<16xf32>,
          %parallel_loop3A_207 = arith.constant 16 : i32
          %parallel_loop3A_208 = arith.muli %parallel_loop3A_199, %parallel_loop3A_207 : i32
          %parallel_loop3A_209 = arith.constant 1 : i32
          %parallel_loop3A_210 = arith.index_cast %parallel_loop3A_209 : i32 to index
          %parallel_loop3A_211 = arith.index_cast %parallel_loop3A_208 : i32 to index
          %parallel_loop3A_212 = tpu.vector_load %arg8[%parallel_loop3A_210, %parallel_loop3A_211] {strides = array<i32>} : memref<2x4096xf32, #tpu.memory_space<vmem>>, vector<16xf32>,
          tpu.vector_store %arg8[%parallel_loop3A_210, %parallel_loop3A_211], %parallel_loop3A_206 {strides = array<i32>} : memref<2x4096xf32, #tpu.memory_space<vmem>>, vector<16xf32>,
        } {sc.loop_unroll_factor = 16 : i64, sc.parallel_access}
        %mul3A_177 = arith.constant 4096 : i32
        %mul3A_178 = arith.muli %add3A_157, %mul3A_177 : i32
        %add3A_179 = arith.constant 204800 : i32
        %add3A_180 = arith.addi %add3A_179, %mul3A_178 : i32
        %dma_start3A_181 = arith.constant 1 : i32
        %dma_start3A_182 = arith.constant 0 : i32
        %dma_start3A_183 = tpu.memref_slice %arg8[%dma_start3A_181, %dma_start3A_182] : memref<2x4096xf32, #tpu.memory_space<vmem>> -> memref<1x4096xf32, #tpu.memory_space<vmem>>
        %dma_start3A_184 = tpu.memref_squeeze %dma_start3A_183 : memref<1x4096xf32, #tpu.memory_space<vmem>> -> memref<4096xf32, #tpu.memory_space<vmem>>
        %dma_start3A_185 = tpu.memref_slice %arg4[%add3A, %add3A_180] : memref<25x819200xf32, #tpu.memory_space<hbm>> -> memref<1x4096xf32, #tpu.memory_space<hbm>>
        %dma_start3A_186 = tpu.memref_squeeze %dma_start3A_185 : memref<1x4096xf32, #tpu.memory_space<hbm>> -> memref<4096xf32, #tpu.memory_space<hbm>>
        %dma_start3A_187 = tpu.memref_slice %arg4[%add3A, %add3A_180] : memref<25x819200xf32, #tpu.memory_space<hbm>> -> memref<1x4096xf32, #tpu.memory_space<hbm>>
        %dma_start3A_188 = tpu.memref_squeeze %dma_start3A_187 : memref<1x4096xf32, #tpu.memory_space<hbm>> -> memref<4096xf32, #tpu.memory_space<hbm>>
        %dma_start3A_189 = arith.constant 0 : i32
        %dma_start3A_190 = tpu.memref_slice %arg8[%dma_start3A_181, %dma_start3A_189] : memref<2x4096xf32, #tpu.memory_space<vmem>> -> memref<1x4096xf32, #tpu.memory_space<vmem>>
        %dma_start3A_191 = tpu.memref_squeeze %dma_start3A_190 : memref<1x4096xf32, #tpu.memory_space<vmem>> -> memref<4096xf32, #tpu.memory_space<vmem>>
        tpu.enqueue_dma source(%dma_start3A_191 : memref<4096xf32, #tpu.memory_space<vmem>>) target(%dma_start3A_188 : memref<4096xf32, #tpu.memory_space<hbm>>) target_semaphore(%arg12 : memref<!tpu.dma_semaphore, #tpu.memory_space<semaphore_mem>>)
        %add3A_192 = arith.constant 2 : i32
        %add3A_193 = arith.addi %add3A_157, %add3A_192 : i32
        %lt3A_194 = arith.constant 50 : i32
        %lt3A_195 = arith.cmpi slt, %add3A_193, %lt3A_194 : i32
        %convert_element_type3A_196 = arith.extui %lt3A_195 : i1 to i32
        %cond3A_197 = arith.constant 0 : i32
        %cond3A_198 = arith.cmpi ne, %convert_element_type3A_196, %cond3A_197 : i32
        scf.if %cond3A_198 {
          %add3A_199 = arith.constant 2 : i32
          %add3A_200 = arith.addi %add3A_157, %add3A_199 : i32
          %mul3A_201 = arith.constant 4096 : i32
          %mul3A_202 = arith.muli %add3A_200, %mul3A_201 : i32
          %dma_start3A_203 = arith.constant 1 : i32
          %dma_start3A_204 = arith.constant 0 : i32
          %dma_start3A_205 = tpu.memref_slice %arg7[%dma_start3A_203, %dma_start3A_204] : memref<2x4096xi32, #tpu.memory_space<vmem>> -> memref<1x4096xi32, #tpu.memory_space<vmem>>
          %dma_start3A_206 = tpu.memref_squeeze %dma_start3A_205 : memref<1x4096xi32, #tpu.memory_space<vmem>> -> memref<4096xi32, #tpu.memory_space<vmem>>
          %dma_start3A_207 = tpu.memref_slice %arg5[%mul3A_202] : memref<204800xi32, #tpu.memory_space<vmem_shared>> -> memref<4096xi32, #tpu.memory_space<vmem_shared>>
          %dma_start3A_208 = arith.constant 0 : i32
          %dma_start3A_209 = tpu.memref_slice %arg7[%dma_start3A_203, %dma_start3A_208] : memref<2x4096xi32, #tpu.memory_space<vmem>> -> memref<1x4096xi32, #tpu.memory_space<vmem>>
          %dma_start3A_210 = tpu.memref_squeeze %dma_start3A_209 : memref<1x4096xi32, #tpu.memory_space<vmem>> -> memref<4096xi32, #tpu.memory_space<vmem>>
          %dma_start3A_211 = tpu.memref_slice %arg5[%mul3A_202] : memref<204800xi32, #tpu.memory_space<vmem_shared>> -> memref<4096xi32, #tpu.memory_space<vmem_shared>>
          tpu.enqueue_dma source(%dma_start3A_211 : memref<4096xi32, #tpu.memory_space<vmem_shared>>) target(%dma_start3A_210 : memref<4096xi32, #tpu.memory_space<vmem>>) target_semaphore(%arg10 : memref<!tpu.dma_semaphore, #tpu.memory_space<semaphore_mem>>)
        } else {
        }
      }
      %scan3A_84 = arith.constant 25 : i32
      %dma_wait3A = arith.constant 0 : i32
      %dma_wait3A_85 = arith.constant 0 : i32
      %dma_wait3A_86 = tpu.memref_slice %arg8[%dma_wait3A, %dma_wait3A_85] : memref<2x4096xf32, #tpu.memory_space<vmem>> -> memref<1x4096xf32, #tpu.memory_space<vmem>>
      %dma_wait3A_87 = tpu.memref_squeeze %dma_wait3A_86 : memref<1x4096xf32, #tpu.memory_space<vmem>> -> memref<4096xf32, #tpu.memory_space<vmem>>
      %dma_wait3A_88 = arith.constant 401408 : i32
      %dma_wait3A_89 = tpu.memref_slice %arg4[%add3A, %dma_wait3A_88] : memref<25x819200xf32, #tpu.memory_space<hbm>> -> memref<1x4096xf32, #tpu.memory_space<hbm>>
      %dma_wait3A_90 = tpu.memref_squeeze %dma_wait3A_89 : memref<1x4096xf32, #tpu.memory_space<hbm>> -> memref<4096xf32, #tpu.memory_space<hbm>>
      %dma_wait3A_91 = arith.constant 401408 : i32
      %dma_wait3A_92 = tpu.memref_slice %arg4[%add3A, %dma_wait3A_91] : memref<25x819200xf32, #tpu.memory_space<hbm>> -> memref<1x4096xf32, #tpu.memory_space<hbm>>
      %dma_wait3A_93 = tpu.memref_squeeze %dma_wait3A_92 : memref<1x4096xf32, #tpu.memory_space<hbm>> -> memref<4096xf32, #tpu.memory_space<hbm>>
      %dma_wait3A_94 = arith.constant 0 : i32
      %dma_wait3A_95 = tpu.memref_slice %arg8[%dma_wait3A, %dma_wait3A_94] : memref<2x4096xf32, #tpu.memory_space<vmem>> -> memref<1x4096xf32, #tpu.memory_space<vmem>>
      %dma_wait3A_96 = tpu.memref_squeeze %dma_wait3A_95 : memref<1x4096xf32, #tpu.memory_space<vmem>> -> memref<4096xf32, #tpu.memory_space<vmem>>
      tpu.wait_dma2 semaphore(%arg11 : memref<!tpu.dma_semaphore, #tpu.memory_space<semaphore_mem>>) src(%dma_wait3A_96 : memref<4096xf32, #tpu.memory_space<vmem>>) dst(%dma_wait3A_93 : memref<4096xf32, #tpu.memory_space<hbm>>)
      %dma_wait3A_97 = arith.constant 1 : i32
      %dma_wait3A_98 = arith.constant 0 : i32
      %dma_wait3A_99 = tpu.memref_slice %arg8[%dma_wait3A_97, %dma_wait3A_98] : memref<2x4096xf32, #tpu.memory_space<vmem>> -> memref<1x4096xf32, #tpu.memory_space<vmem>>
      %dma_wait3A_100 = tpu.memref_squeeze %dma_wait3A_99 : memref<1x4096xf32, #tpu.memory_space<vmem>> -> memref<4096xf32, #tpu.memory_space<vmem>>
      %dma_wait3A_101 = arith.constant 405504 : i32
      %dma_wait3A_102 = tpu.memref_slice %arg4[%add3A, %dma_wait3A_101] : memref<25x819200xf32, #tpu.memory_space<hbm>> -> memref<1x4096xf32, #tpu.memory_space<hbm>>
      %dma_wait3A_103 = tpu.memref_squeeze %dma_wait3A_102 : memref<1x4096xf32, #tpu.memory_space<hbm>> -> memref<4096xf32, #tpu.memory_space<hbm>>
      %dma_wait3A_104 = arith.constant 405504 : i32
      %dma_wait3A_105 = tpu.memref_slice %arg4[%add3A, %dma_wait3A_104] : memref<25x819200xf32, #tpu.memory_space<hbm>> -> memref<1x4096xf32, #tpu.memory_space<hbm>>
      %dma_wait3A_106 = tpu.memref_squeeze %dma_wait3A_105 : memref<1x4096xf32, #tpu.memory_space<hbm>> -> memref<4096xf32, #tpu.memory_space<hbm>>
      %dma_wait3A_107 = arith.constant 0 : i32
      %dma_wait3A_108 = tpu.memref_slice %arg8[%dma_wait3A_97, %dma_wait3A_107] : memref<2x4096xf32, #tpu.memory_space<vmem>> -> memref<1x4096xf32, #tpu.memory_space<vmem>>
      %dma_wait3A_109 = tpu.memref_squeeze %dma_wait3A_108 : memref<1x4096xf32, #tpu.memory_space<vmem>> -> memref<4096xf32, #tpu.memory_space<vmem>>
      tpu.wait_dma2 semaphore(%arg12 : memref<!tpu.dma_semaphore, #tpu.memory_space<semaphore_mem>>) src(%dma_wait3A_109 : memref<4096xf32, #tpu.memory_space<vmem>>) dst(%dma_wait3A_106 : memref<4096xf32, #tpu.memory_space<hbm>>)
    } else {
    }
    %barrier3A_32 = arith.constant 0 : index
    tpu.barrier barrier_id(%barrier3A_32)
    %mul3A_33 = arith.constant 12800 : i32
    %mul3A_34 = arith.muli %arg1, %mul3A_33 : i32
    %add3A_35 = arith.constant 409600 : i32
    %add3A_36 = arith.addi %add3A_35, %mul3A_34 : i32
    %mul3A_37 = arith.constant 12800 : i32
    %mul3A_38 = arith.muli %arg1, %mul3A_37 : i32
    "tpu.region"() ({
      %run_scoped3A = tpu.sem_alloc : memref<!tpu.dma_semaphore, #tpu.memory_space<semaphore_mem>>
      %dma_start3A = tpu.memref_slice %arg5[%mul3A_38] : memref<204800xi32, #tpu.memory_space<vmem_shared>> -> memref<12800xi32, #tpu.memory_space<vmem_shared>>
      %dma_start3A_59 = tpu.memref_slice %arg3[%add3A_36] : memref<819200xi32, #tpu.memory_space<hbm>> -> memref<12800xi32, #tpu.memory_space<hbm>>
      tpu.enqueue_dma source(%dma_start3A_59 : memref<12800xi32, #tpu.memory_space<hbm>>) target(%dma_start3A : memref<12800xi32, #tpu.memory_space<vmem_shared>>) target_semaphore(%run_scoped3A : memref<!tpu.dma_semaphore, #tpu.memory_space<semaphore_mem>>)
      %dma_wait3A = tpu.memref_slice %arg5[%mul3A_38] : memref<204800xi32, #tpu.memory_space<vmem_shared>> -> memref<12800xi32, #tpu.memory_space<vmem_shared>>
      %dma_wait3A_60 = tpu.memref_slice %arg3[%add3A_36] : memref<819200xi32, #tpu.memory_space<hbm>> -> memref<12800xi32, #tpu.memory_space<hbm>>
      tpu.wait_dma2 semaphore(%run_scoped3A : memref<!tpu.dma_semaphore, #tpu.memory_space<semaphore_mem>>) src(%dma_wait3A_60 : memref<12800xi32, #tpu.memory_space<hbm>>) dst(%dma_wait3A : memref<12800xi32, #tpu.memory_space<vmem_shared>>)
      tpu.yield
    }) : () -> ()
    %barrier3A_39 = arith.constant 0 : index
    tpu.barrier barrier_id(%barrier3A_39)
    %lt3A_40 = arith.constant 25 : i32
    %lt3A_41 = arith.cmpi slt, %add3A, %lt3A_40 : i32
    %convert_element_type3A_42 = arith.extui %lt3A_41 : i1 to i32
    %cond3A_43 = arith.constant 0 : i32
    %cond3A_44 = arith.cmpi ne, %convert_element_type3A_42, %cond3A_43 : i32
    scf.if %cond3A_44 {
      %dma_start3A = arith.constant 0 : i32
      %dma_start3A_59 = arith.constant 0 : i32
      %dma_start3A_60 = tpu.memref_slice %arg7[%dma_start3A, %dma_start3A_59] : memref<2x4096xi32, #tpu.memory_space<vmem>> -> memref<1x4096xi32, #tpu.memory_space<vmem>>
      %dma_start3A_61 = tpu.memref_squeeze %dma_start3A_60 : memref<1x4096xi32, #tpu.memory_space<vmem>> -> memref<4096xi32, #tpu.memory_space<vmem>>
      %dma_start3A_62 = arith.constant 0 : i32
      %dma_start3A_63 = tpu.memref_slice %arg5[%dma_start3A_62] : memref<204800xi32, #tpu.memory_space<vmem_shared>> -> memref<4096xi32, #tpu.memory_space<vmem_shared>>
      %dma_start3A_64 = arith.constant 0 : i32
      %dma_start3A_65 = tpu.memref_slice %arg7[%dma_start3A, %dma_start3A_64] : memref<2x4096xi32, #tpu.memory_space<vmem>> -> memref<1x4096xi32, #tpu.memory_space<vmem>>
      %dma_start3A_66 = tpu.memref_squeeze %dma_start3A_65 : memref<1x4096xi32, #tpu.memory_space<vmem>> -> memref<4096xi32, #tpu.memory_space<vmem>>
      %dma_start3A_67 = arith.constant 0 : i32
      %dma_start3A_68 = tpu.memref_slice %arg5[%dma_start3A_67] : memref<204800xi32, #tpu.memory_space<vmem_shared>> -> memref<4096xi32, #tpu.memory_space<vmem_shared>>
      tpu.enqueue_dma source(%dma_start3A_68 : memref<4096xi32, #tpu.memory_space<vmem_shared>>) target(%dma_start3A_66 : memref<4096xi32, #tpu.memory_space<vmem>>) target_semaphore(%arg9 : memref<!tpu.dma_semaphore, #tpu.memory_space<semaphore_mem>>)
      %dma_start3A_69 = arith.constant 1 : i32
      %dma_start3A_70 = arith.constant 0 : i32
      %dma_start3A_71 = tpu.memref_slice %arg7[%dma_start3A_69, %dma_start3A_70] : memref<2x4096xi32, #tpu.memory_space<vmem>> -> memref<1x4096xi32, #tpu.memory_space<vmem>>
      %dma_start3A_72 = tpu.memref_squeeze %dma_start3A_71 : memref<1x4096xi32, #tpu.memory_space<vmem>> -> memref<4096xi32, #tpu.memory_space<vmem>>
      %dma_start3A_73 = arith.constant 4096 : i32
      %dma_start3A_74 = tpu.memref_slice %arg5[%dma_start3A_73] : memref<204800xi32, #tpu.memory_space<vmem_shared>> -> memref<4096xi32, #tpu.memory_space<vmem_shared>>
      %dma_start3A_75 = arith.constant 0 : i32
      %dma_start3A_76 = tpu.memref_slice %arg7[%dma_start3A_69, %dma_start3A_75] : memref<2x4096xi32, #tpu.memory_space<vmem>> -> memref<1x4096xi32, #tpu.memory_space<vmem>>
      %dma_start3A_77 = tpu.memref_squeeze %dma_start3A_76 : memref<1x4096xi32, #tpu.memory_space<vmem>> -> memref<4096xi32, #tpu.memory_space<vmem>>
      %dma_start3A_78 = arith.constant 4096 : i32
      %dma_start3A_79 = tpu.memref_slice %arg5[%dma_start3A_78] : memref<204800xi32, #tpu.memory_space<vmem_shared>> -> memref<4096xi32, #tpu.memory_space<vmem_shared>>
      tpu.enqueue_dma source(%dma_start3A_79 : memref<4096xi32, #tpu.memory_space<vmem_shared>>) target(%dma_start3A_77 : memref<4096xi32, #tpu.memory_space<vmem>>) target_semaphore(%arg10 : memref<!tpu.dma_semaphore, #tpu.memory_space<semaphore_mem>>)
      %scan3A = arith.constant 0 : i32
      %scan3A_80 = arith.constant 0 : i32
      %scan3A_81 = arith.constant 25 : i32
      %scan3A_82 = arith.addi %scan3A_80, %scan3A_81 : i32
      %scan3A_83 = arith.constant 1 : i32
      scf.for %scan3A_110 = %scan3A_80 to %scan3A_82 step %scan3A_83  : i32 {
        %mul3A_111 = arith.constant 2 : i32
        %mul3A_112 = arith.muli %scan3A_110, %mul3A_111 : i32
        %add3A_113 = arith.constant 0 : i32
        %add3A_114 = arith.addi %mul3A_112, %add3A_113 : i32
        %mul3A_115 = arith.constant 4096 : i32
        %mul3A_116 = arith.muli %add3A_114, %mul3A_115 : i32
        %dma_wait3A_117 = arith.constant 0 : i32
        %dma_wait3A_118 = arith.constant 0 : i32
        %dma_wait3A_119 = tpu.memref_slice %arg7[%dma_wait3A_117, %dma_wait3A_118] : memref<2x4096xi32, #tpu.memory_space<vmem>> -> memref<1x4096xi32, #tpu.memory_space<vmem>>
        %dma_wait3A_120 = tpu.memref_squeeze %dma_wait3A_119 : memref<1x4096xi32, #tpu.memory_space<vmem>> -> memref<4096xi32, #tpu.memory_space<vmem>>
        %dma_wait3A_121 = tpu.memref_slice %arg5[%mul3A_116] : memref<204800xi32, #tpu.memory_space<vmem_shared>> -> memref<4096xi32, #tpu.memory_space<vmem_shared>>
        %dma_wait3A_122 = arith.constant 0 : i32
        %dma_wait3A_123 = tpu.memref_slice %arg7[%dma_wait3A_117, %dma_wait3A_122] : memref<2x4096xi32, #tpu.memory_space<vmem>> -> memref<1x4096xi32, #tpu.memory_space<vmem>>
        %dma_wait3A_124 = tpu.memref_squeeze %dma_wait3A_123 : memref<1x4096xi32, #tpu.memory_space<vmem>> -> memref<4096xi32, #tpu.memory_space<vmem>>
        %dma_wait3A_125 = tpu.memref_slice %arg5[%mul3A_116] : memref<204800xi32, #tpu.memory_space<vmem_shared>> -> memref<4096xi32, #tpu.memory_space<vmem_shared>>
        tpu.wait_dma2 semaphore(%arg9 : memref<!tpu.dma_semaphore, #tpu.memory_space<semaphore_mem>>) src(%dma_wait3A_125 : memref<4096xi32, #tpu.memory_space<vmem_shared>>) dst(%dma_wait3A_124 : memref<4096xi32, #tpu.memory_space<vmem>>)
        %ge3A = arith.constant 2 : i32
        %ge3A_126 = arith.cmpi sge, %add3A_114, %ge3A : i32
        %convert_element_type3A_127 = arith.extui %ge3A_126 : i1 to i32
        %cond3A_128 = arith.constant 0 : i32
        %cond3A_129 = arith.cmpi ne, %convert_element_type3A_127, %cond3A_128 : i32
        scf.if %cond3A_129 {
          %sub3A = arith.constant 2 : i32
          %sub3A_199 = arith.subi %add3A_114, %sub3A : i32
          %mul3A_200 = arith.constant 4096 : i32
          %mul3A_201 = arith.muli %sub3A_199, %mul3A_200 : i32
          %add3A_202 = arith.constant 409600 : i32
          %add3A_203 = arith.addi %add3A_202, %mul3A_201 : i32
          %dma_wait3A_204 = arith.constant 0 : i32
          %dma_wait3A_205 = arith.constant 0 : i32
          %dma_wait3A_206 = tpu.memref_slice %arg8[%dma_wait3A_204, %dma_wait3A_205] : memref<2x4096xf32, #tpu.memory_space<vmem>> -> memref<1x4096xf32, #tpu.memory_space<vmem>>
          %dma_wait3A_207 = tpu.memref_squeeze %dma_wait3A_206 : memref<1x4096xf32, #tpu.memory_space<vmem>> -> memref<4096xf32, #tpu.memory_space<vmem>>
          %dma_wait3A_208 = tpu.memref_slice %arg4[%add3A, %add3A_203] : memref<25x819200xf32, #tpu.memory_space<hbm>> -> memref<1x4096xf32, #tpu.memory_space<hbm>>
          %dma_wait3A_209 = tpu.memref_squeeze %dma_wait3A_208 : memref<1x4096xf32, #tpu.memory_space<hbm>> -> memref<4096xf32, #tpu.memory_space<hbm>>
          %dma_wait3A_210 = tpu.memref_slice %arg4[%add3A, %add3A_203] : memref<25x819200xf32, #tpu.memory_space<hbm>> -> memref<1x4096xf32, #tpu.memory_space<hbm>>
          %dma_wait3A_211 = tpu.memref_squeeze %dma_wait3A_210 : memref<1x4096xf32, #tpu.memory_space<hbm>> -> memref<4096xf32, #tpu.memory_space<hbm>>
          %dma_wait3A_212 = arith.constant 0 : i32
          %dma_wait3A_213 = tpu.memref_slice %arg8[%dma_wait3A_204, %dma_wait3A_212] : memref<2x4096xf32, #tpu.memory_space<vmem>> -> memref<1x4096xf32, #tpu.memory_space<vmem>>
          %dma_wait3A_214 = tpu.memref_squeeze %dma_wait3A_213 : memref<1x4096xf32, #tpu.memory_space<vmem>> -> memref<4096xf32, #tpu.memory_space<vmem>>
          tpu.wait_dma2 semaphore(%arg11 : memref<!tpu.dma_semaphore, #tpu.memory_space<semaphore_mem>>) src(%dma_wait3A_214 : memref<4096xf32, #tpu.memory_space<vmem>>) dst(%dma_wait3A_211 : memref<4096xf32, #tpu.memory_space<hbm>>)
        } else {
        }
        %parallel_loop3A = arith.constant 0 : i32
        %parallel_loop3A_130 = arith.constant 256 : i32
        %parallel_loop3A_131 = arith.constant 1 : i32
        scf.for %parallel_loop3A_199 = %parallel_loop3A to %parallel_loop3A_130 step %parallel_loop3A_131  : i32 {
          %parallel_loop3A_200 = arith.constant 16 : i32
          %parallel_loop3A_201 = arith.muli %parallel_loop3A_199, %parallel_loop3A_200 : i32
          %parallel_loop3A_202 = arith.constant 0 : i32
          %parallel_loop3A_203 = arith.index_cast %parallel_loop3A_202 : i32 to index
          %parallel_loop3A_204 = arith.index_cast %parallel_loop3A_201 : i32 to index
          %parallel_loop3A_205 = tpu.vector_load %arg7[%parallel_loop3A_203, %parallel_loop3A_204] {strides = array<i32>} : memref<2x4096xi32, #tpu.memory_space<vmem>>, vector<16xi32>,
          %parallel_loop3A_206 = tpu.vector_load_idx %arg6[%parallel_loop3A_205] : memref<100000xf32, #tpu.memory_space<vmem>>[vector<16xi32>], vector<16xf32>,
          %parallel_loop3A_207 = arith.constant 16 : i32
          %parallel_loop3A_208 = arith.muli %parallel_loop3A_199, %parallel_loop3A_207 : i32
          %parallel_loop3A_209 = arith.constant 0 : i32
          %parallel_loop3A_210 = arith.index_cast %parallel_loop3A_209 : i32 to index
          %parallel_loop3A_211 = arith.index_cast %parallel_loop3A_208 : i32 to index
          %parallel_loop3A_212 = tpu.vector_load %arg8[%parallel_loop3A_210, %parallel_loop3A_211] {strides = array<i32>} : memref<2x4096xf32, #tpu.memory_space<vmem>>, vector<16xf32>,
          tpu.vector_store %arg8[%parallel_loop3A_210, %parallel_loop3A_211], %parallel_loop3A_206 {strides = array<i32>} : memref<2x4096xf32, #tpu.memory_space<vmem>>, vector<16xf32>,
        } {sc.loop_unroll_factor = 16 : i64, sc.parallel_access}
        %mul3A_132 = arith.constant 4096 : i32
        %mul3A_133 = arith.muli %add3A_114, %mul3A_132 : i32
        %add3A_134 = arith.constant 409600 : i32
        %add3A_135 = arith.addi %add3A_134, %mul3A_133 : i32
        %dma_start3A_136 = arith.constant 0 : i32
        %dma_start3A_137 = arith.constant 0 : i32
        %dma_start3A_138 = tpu.memref_slice %arg8[%dma_start3A_136, %dma_start3A_137] : memref<2x4096xf32, #tpu.memory_space<vmem>> -> memref<1x4096xf32, #tpu.memory_space<vmem>>
        %dma_start3A_139 = tpu.memref_squeeze %dma_start3A_138 : memref<1x4096xf32, #tpu.memory_space<vmem>> -> memref<4096xf32, #tpu.memory_space<vmem>>
        %dma_start3A_140 = tpu.memref_slice %arg4[%add3A, %add3A_135] : memref<25x819200xf32, #tpu.memory_space<hbm>> -> memref<1x4096xf32, #tpu.memory_space<hbm>>
        %dma_start3A_141 = tpu.memref_squeeze %dma_start3A_140 : memref<1x4096xf32, #tpu.memory_space<hbm>> -> memref<4096xf32, #tpu.memory_space<hbm>>
        %dma_start3A_142 = tpu.memref_slice %arg4[%add3A, %add3A_135] : memref<25x819200xf32, #tpu.memory_space<hbm>> -> memref<1x4096xf32, #tpu.memory_space<hbm>>
        %dma_start3A_143 = tpu.memref_squeeze %dma_start3A_142 : memref<1x4096xf32, #tpu.memory_space<hbm>> -> memref<4096xf32, #tpu.memory_space<hbm>>
        %dma_start3A_144 = arith.constant 0 : i32
        %dma_start3A_145 = tpu.memref_slice %arg8[%dma_start3A_136, %dma_start3A_144] : memref<2x4096xf32, #tpu.memory_space<vmem>> -> memref<1x4096xf32, #tpu.memory_space<vmem>>
        %dma_start3A_146 = tpu.memref_squeeze %dma_start3A_145 : memref<1x4096xf32, #tpu.memory_space<vmem>> -> memref<4096xf32, #tpu.memory_space<vmem>>
        tpu.enqueue_dma source(%dma_start3A_146 : memref<4096xf32, #tpu.memory_space<vmem>>) target(%dma_start3A_143 : memref<4096xf32, #tpu.memory_space<hbm>>) target_semaphore(%arg11 : memref<!tpu.dma_semaphore, #tpu.memory_space<semaphore_mem>>)
        %add3A_147 = arith.constant 2 : i32
        %add3A_148 = arith.addi %add3A_114, %add3A_147 : i32
        %lt3A_149 = arith.constant 50 : i32
        %lt3A_150 = arith.cmpi slt, %add3A_148, %lt3A_149 : i32
        %convert_element_type3A_151 = arith.extui %lt3A_150 : i1 to i32
        %cond3A_152 = arith.constant 0 : i32
        %cond3A_153 = arith.cmpi ne, %convert_element_type3A_151, %cond3A_152 : i32
        scf.if %cond3A_153 {
          %add3A_199 = arith.constant 2 : i32
          %add3A_200 = arith.addi %add3A_114, %add3A_199 : i32
          %mul3A_201 = arith.constant 4096 : i32
          %mul3A_202 = arith.muli %add3A_200, %mul3A_201 : i32
          %dma_start3A_203 = arith.constant 0 : i32
          %dma_start3A_204 = arith.constant 0 : i32
          %dma_start3A_205 = tpu.memref_slice %arg7[%dma_start3A_203, %dma_start3A_204] : memref<2x4096xi32, #tpu.memory_space<vmem>> -> memref<1x4096xi32, #tpu.memory_space<vmem>>
          %dma_start3A_206 = tpu.memref_squeeze %dma_start3A_205 : memref<1x4096xi32, #tpu.memory_space<vmem>> -> memref<4096xi32, #tpu.memory_space<vmem>>
          %dma_start3A_207 = tpu.memref_slice %arg5[%mul3A_202] : memref<204800xi32, #tpu.memory_space<vmem_shared>> -> memref<4096xi32, #tpu.memory_space<vmem_shared>>
          %dma_start3A_208 = arith.constant 0 : i32
          %dma_start3A_209 = tpu.memref_slice %arg7[%dma_start3A_203, %dma_start3A_208] : memref<2x4096xi32, #tpu.memory_space<vmem>> -> memref<1x4096xi32, #tpu.memory_space<vmem>>
          %dma_start3A_210 = tpu.memref_squeeze %dma_start3A_209 : memref<1x4096xi32, #tpu.memory_space<vmem>> -> memref<4096xi32, #tpu.memory_space<vmem>>
          %dma_start3A_211 = tpu.memref_slice %arg5[%mul3A_202] : memref<204800xi32, #tpu.memory_space<vmem_shared>> -> memref<4096xi32, #tpu.memory_space<vmem_shared>>
          tpu.enqueue_dma source(%dma_start3A_211 : memref<4096xi32, #tpu.memory_space<vmem_shared>>) target(%dma_start3A_210 : memref<4096xi32, #tpu.memory_space<vmem>>) target_semaphore(%arg9 : memref<!tpu.dma_semaphore, #tpu.memory_space<semaphore_mem>>)
        } else {
        }
        %mul3A_154 = arith.constant 2 : i32
        %mul3A_155 = arith.muli %scan3A_110, %mul3A_154 : i32
        %add3A_156 = arith.constant 1 : i32
        %add3A_157 = arith.addi %mul3A_155, %add3A_156 : i32
        %mul3A_158 = arith.constant 4096 : i32
        %mul3A_159 = arith.muli %add3A_157, %mul3A_158 : i32
        %dma_wait3A_160 = arith.constant 1 : i32
        %dma_wait3A_161 = arith.constant 0 : i32
        %dma_wait3A_162 = tpu.memref_slice %arg7[%dma_wait3A_160, %dma_wait3A_161] : memref<2x4096xi32, #tpu.memory_space<vmem>> -> memref<1x4096xi32, #tpu.memory_space<vmem>>
        %dma_wait3A_163 = tpu.memref_squeeze %dma_wait3A_162 : memref<1x4096xi32, #tpu.memory_space<vmem>> -> memref<4096xi32, #tpu.memory_space<vmem>>
        %dma_wait3A_164 = tpu.memref_slice %arg5[%mul3A_159] : memref<204800xi32, #tpu.memory_space<vmem_shared>> -> memref<4096xi32, #tpu.memory_space<vmem_shared>>
        %dma_wait3A_165 = arith.constant 0 : i32
        %dma_wait3A_166 = tpu.memref_slice %arg7[%dma_wait3A_160, %dma_wait3A_165] : memref<2x4096xi32, #tpu.memory_space<vmem>> -> memref<1x4096xi32, #tpu.memory_space<vmem>>
        %dma_wait3A_167 = tpu.memref_squeeze %dma_wait3A_166 : memref<1x4096xi32, #tpu.memory_space<vmem>> -> memref<4096xi32, #tpu.memory_space<vmem>>
        %dma_wait3A_168 = tpu.memref_slice %arg5[%mul3A_159] : memref<204800xi32, #tpu.memory_space<vmem_shared>> -> memref<4096xi32, #tpu.memory_space<vmem_shared>>
        tpu.wait_dma2 semaphore(%arg10 : memref<!tpu.dma_semaphore, #tpu.memory_space<semaphore_mem>>) src(%dma_wait3A_168 : memref<4096xi32, #tpu.memory_space<vmem_shared>>) dst(%dma_wait3A_167 : memref<4096xi32, #tpu.memory_space<vmem>>)
        %ge3A_169 = arith.constant 2 : i32
        %ge3A_170 = arith.cmpi sge, %add3A_157, %ge3A_169 : i32
        %convert_element_type3A_171 = arith.extui %ge3A_170 : i1 to i32
        %cond3A_172 = arith.constant 0 : i32
        %cond3A_173 = arith.cmpi ne, %convert_element_type3A_171, %cond3A_172 : i32
        scf.if %cond3A_173 {
          %sub3A = arith.constant 2 : i32
          %sub3A_199 = arith.subi %add3A_157, %sub3A : i32
          %mul3A_200 = arith.constant 4096 : i32
          %mul3A_201 = arith.muli %sub3A_199, %mul3A_200 : i32
          %add3A_202 = arith.constant 409600 : i32
          %add3A_203 = arith.addi %add3A_202, %mul3A_201 : i32
          %dma_wait3A_204 = arith.constant 1 : i32
          %dma_wait3A_205 = arith.constant 0 : i32
          %dma_wait3A_206 = tpu.memref_slice %arg8[%dma_wait3A_204, %dma_wait3A_205] : memref<2x4096xf32, #tpu.memory_space<vmem>> -> memref<1x4096xf32, #tpu.memory_space<vmem>>
          %dma_wait3A_207 = tpu.memref_squeeze %dma_wait3A_206 : memref<1x4096xf32, #tpu.memory_space<vmem>> -> memref<4096xf32, #tpu.memory_space<vmem>>
          %dma_wait3A_208 = tpu.memref_slice %arg4[%add3A, %add3A_203] : memref<25x819200xf32, #tpu.memory_space<hbm>> -> memref<1x4096xf32, #tpu.memory_space<hbm>>
          %dma_wait3A_209 = tpu.memref_squeeze %dma_wait3A_208 : memref<1x4096xf32, #tpu.memory_space<hbm>> -> memref<4096xf32, #tpu.memory_space<hbm>>
          %dma_wait3A_210 = tpu.memref_slice %arg4[%add3A, %add3A_203] : memref<25x819200xf32, #tpu.memory_space<hbm>> -> memref<1x4096xf32, #tpu.memory_space<hbm>>
          %dma_wait3A_211 = tpu.memref_squeeze %dma_wait3A_210 : memref<1x4096xf32, #tpu.memory_space<hbm>> -> memref<4096xf32, #tpu.memory_space<hbm>>
          %dma_wait3A_212 = arith.constant 0 : i32
          %dma_wait3A_213 = tpu.memref_slice %arg8[%dma_wait3A_204, %dma_wait3A_212] : memref<2x4096xf32, #tpu.memory_space<vmem>> -> memref<1x4096xf32, #tpu.memory_space<vmem>>
          %dma_wait3A_214 = tpu.memref_squeeze %dma_wait3A_213 : memref<1x4096xf32, #tpu.memory_space<vmem>> -> memref<4096xf32, #tpu.memory_space<vmem>>
          tpu.wait_dma2 semaphore(%arg12 : memref<!tpu.dma_semaphore, #tpu.memory_space<semaphore_mem>>) src(%dma_wait3A_214 : memref<4096xf32, #tpu.memory_space<vmem>>) dst(%dma_wait3A_211 : memref<4096xf32, #tpu.memory_space<hbm>>)
        } else {
        }
        %parallel_loop3A_174 = arith.constant 0 : i32
        %parallel_loop3A_175 = arith.constant 256 : i32
        %parallel_loop3A_176 = arith.constant 1 : i32
        scf.for %parallel_loop3A_199 = %parallel_loop3A_174 to %parallel_loop3A_175 step %parallel_loop3A_176  : i32 {
          %parallel_loop3A_200 = arith.constant 16 : i32
          %parallel_loop3A_201 = arith.muli %parallel_loop3A_199, %parallel_loop3A_200 : i32
          %parallel_loop3A_202 = arith.constant 1 : i32
          %parallel_loop3A_203 = arith.index_cast %parallel_loop3A_202 : i32 to index
          %parallel_loop3A_204 = arith.index_cast %parallel_loop3A_201 : i32 to index
          %parallel_loop3A_205 = tpu.vector_load %arg7[%parallel_loop3A_203, %parallel_loop3A_204] {strides = array<i32>} : memref<2x4096xi32, #tpu.memory_space<vmem>>, vector<16xi32>,
          %parallel_loop3A_206 = tpu.vector_load_idx %arg6[%parallel_loop3A_205] : memref<100000xf32, #tpu.memory_space<vmem>>[vector<16xi32>], vector<16xf32>,
          %parallel_loop3A_207 = arith.constant 16 : i32
          %parallel_loop3A_208 = arith.muli %parallel_loop3A_199, %parallel_loop3A_207 : i32
          %parallel_loop3A_209 = arith.constant 1 : i32
          %parallel_loop3A_210 = arith.index_cast %parallel_loop3A_209 : i32 to index
          %parallel_loop3A_211 = arith.index_cast %parallel_loop3A_208 : i32 to index
          %parallel_loop3A_212 = tpu.vector_load %arg8[%parallel_loop3A_210, %parallel_loop3A_211] {strides = array<i32>} : memref<2x4096xf32, #tpu.memory_space<vmem>>, vector<16xf32>,
          tpu.vector_store %arg8[%parallel_loop3A_210, %parallel_loop3A_211], %parallel_loop3A_206 {strides = array<i32>} : memref<2x4096xf32, #tpu.memory_space<vmem>>, vector<16xf32>,
        } {sc.loop_unroll_factor = 16 : i64, sc.parallel_access}
        %mul3A_177 = arith.constant 4096 : i32
        %mul3A_178 = arith.muli %add3A_157, %mul3A_177 : i32
        %add3A_179 = arith.constant 409600 : i32
        %add3A_180 = arith.addi %add3A_179, %mul3A_178 : i32
        %dma_start3A_181 = arith.constant 1 : i32
        %dma_start3A_182 = arith.constant 0 : i32
        %dma_start3A_183 = tpu.memref_slice %arg8[%dma_start3A_181, %dma_start3A_182] : memref<2x4096xf32, #tpu.memory_space<vmem>> -> memref<1x4096xf32, #tpu.memory_space<vmem>>
        %dma_start3A_184 = tpu.memref_squeeze %dma_start3A_183 : memref<1x4096xf32, #tpu.memory_space<vmem>> -> memref<4096xf32, #tpu.memory_space<vmem>>
        %dma_start3A_185 = tpu.memref_slice %arg4[%add3A, %add3A_180] : memref<25x819200xf32, #tpu.memory_space<hbm>> -> memref<1x4096xf32, #tpu.memory_space<hbm>>
        %dma_start3A_186 = tpu.memref_squeeze %dma_start3A_185 : memref<1x4096xf32, #tpu.memory_space<hbm>> -> memref<4096xf32, #tpu.memory_space<hbm>>
        %dma_start3A_187 = tpu.memref_slice %arg4[%add3A, %add3A_180] : memref<25x819200xf32, #tpu.memory_space<hbm>> -> memref<1x4096xf32, #tpu.memory_space<hbm>>
        %dma_start3A_188 = tpu.memref_squeeze %dma_start3A_187 : memref<1x4096xf32, #tpu.memory_space<hbm>> -> memref<4096xf32, #tpu.memory_space<hbm>>
        %dma_start3A_189 = arith.constant 0 : i32
        %dma_start3A_190 = tpu.memref_slice %arg8[%dma_start3A_181, %dma_start3A_189] : memref<2x4096xf32, #tpu.memory_space<vmem>> -> memref<1x4096xf32, #tpu.memory_space<vmem>>
        %dma_start3A_191 = tpu.memref_squeeze %dma_start3A_190 : memref<1x4096xf32, #tpu.memory_space<vmem>> -> memref<4096xf32, #tpu.memory_space<vmem>>
        tpu.enqueue_dma source(%dma_start3A_191 : memref<4096xf32, #tpu.memory_space<vmem>>) target(%dma_start3A_188 : memref<4096xf32, #tpu.memory_space<hbm>>) target_semaphore(%arg12 : memref<!tpu.dma_semaphore, #tpu.memory_space<semaphore_mem>>)
        %add3A_192 = arith.constant 2 : i32
        %add3A_193 = arith.addi %add3A_157, %add3A_192 : i32
        %lt3A_194 = arith.constant 50 : i32
        %lt3A_195 = arith.cmpi slt, %add3A_193, %lt3A_194 : i32
        %convert_element_type3A_196 = arith.extui %lt3A_195 : i1 to i32
        %cond3A_197 = arith.constant 0 : i32
        %cond3A_198 = arith.cmpi ne, %convert_element_type3A_196, %cond3A_197 : i32
        scf.if %cond3A_198 {
          %add3A_199 = arith.constant 2 : i32
          %add3A_200 = arith.addi %add3A_157, %add3A_199 : i32
          %mul3A_201 = arith.constant 4096 : i32
          %mul3A_202 = arith.muli %add3A_200, %mul3A_201 : i32
          %dma_start3A_203 = arith.constant 1 : i32
          %dma_start3A_204 = arith.constant 0 : i32
          %dma_start3A_205 = tpu.memref_slice %arg7[%dma_start3A_203, %dma_start3A_204] : memref<2x4096xi32, #tpu.memory_space<vmem>> -> memref<1x4096xi32, #tpu.memory_space<vmem>>
          %dma_start3A_206 = tpu.memref_squeeze %dma_start3A_205 : memref<1x4096xi32, #tpu.memory_space<vmem>> -> memref<4096xi32, #tpu.memory_space<vmem>>
          %dma_start3A_207 = tpu.memref_slice %arg5[%mul3A_202] : memref<204800xi32, #tpu.memory_space<vmem_shared>> -> memref<4096xi32, #tpu.memory_space<vmem_shared>>
          %dma_start3A_208 = arith.constant 0 : i32
          %dma_start3A_209 = tpu.memref_slice %arg7[%dma_start3A_203, %dma_start3A_208] : memref<2x4096xi32, #tpu.memory_space<vmem>> -> memref<1x4096xi32, #tpu.memory_space<vmem>>
          %dma_start3A_210 = tpu.memref_squeeze %dma_start3A_209 : memref<1x4096xi32, #tpu.memory_space<vmem>> -> memref<4096xi32, #tpu.memory_space<vmem>>
          %dma_start3A_211 = tpu.memref_slice %arg5[%mul3A_202] : memref<204800xi32, #tpu.memory_space<vmem_shared>> -> memref<4096xi32, #tpu.memory_space<vmem_shared>>
          tpu.enqueue_dma source(%dma_start3A_211 : memref<4096xi32, #tpu.memory_space<vmem_shared>>) target(%dma_start3A_210 : memref<4096xi32, #tpu.memory_space<vmem>>) target_semaphore(%arg10 : memref<!tpu.dma_semaphore, #tpu.memory_space<semaphore_mem>>)
        } else {
        }
      }
      %scan3A_84 = arith.constant 25 : i32
      %dma_wait3A = arith.constant 0 : i32
      %dma_wait3A_85 = arith.constant 0 : i32
      %dma_wait3A_86 = tpu.memref_slice %arg8[%dma_wait3A, %dma_wait3A_85] : memref<2x4096xf32, #tpu.memory_space<vmem>> -> memref<1x4096xf32, #tpu.memory_space<vmem>>
      %dma_wait3A_87 = tpu.memref_squeeze %dma_wait3A_86 : memref<1x4096xf32, #tpu.memory_space<vmem>> -> memref<4096xf32, #tpu.memory_space<vmem>>
      %dma_wait3A_88 = arith.constant 606208 : i32
      %dma_wait3A_89 = tpu.memref_slice %arg4[%add3A, %dma_wait3A_88] : memref<25x819200xf32, #tpu.memory_space<hbm>> -> memref<1x4096xf32, #tpu.memory_space<hbm>>
      %dma_wait3A_90 = tpu.memref_squeeze %dma_wait3A_89 : memref<1x4096xf32, #tpu.memory_space<hbm>> -> memref<4096xf32, #tpu.memory_space<hbm>>
      %dma_wait3A_91 = arith.constant 606208 : i32
      %dma_wait3A_92 = tpu.memref_slice %arg4[%add3A, %dma_wait3A_91] : memref<25x819200xf32, #tpu.memory_space<hbm>> -> memref<1x4096xf32, #tpu.memory_space<hbm>>
      %dma_wait3A_93 = tpu.memref_squeeze %dma_wait3A_92 : memref<1x4096xf32, #tpu.memory_space<hbm>> -> memref<4096xf32, #tpu.memory_space<hbm>>
      %dma_wait3A_94 = arith.constant 0 : i32
      %dma_wait3A_95 = tpu.memref_slice %arg8[%dma_wait3A, %dma_wait3A_94] : memref<2x4096xf32, #tpu.memory_space<vmem>> -> memref<1x4096xf32, #tpu.memory_space<vmem>>
      %dma_wait3A_96 = tpu.memref_squeeze %dma_wait3A_95 : memref<1x4096xf32, #tpu.memory_space<vmem>> -> memref<4096xf32, #tpu.memory_space<vmem>>
      tpu.wait_dma2 semaphore(%arg11 : memref<!tpu.dma_semaphore, #tpu.memory_space<semaphore_mem>>) src(%dma_wait3A_96 : memref<4096xf32, #tpu.memory_space<vmem>>) dst(%dma_wait3A_93 : memref<4096xf32, #tpu.memory_space<hbm>>)
      %dma_wait3A_97 = arith.constant 1 : i32
      %dma_wait3A_98 = arith.constant 0 : i32
      %dma_wait3A_99 = tpu.memref_slice %arg8[%dma_wait3A_97, %dma_wait3A_98] : memref<2x4096xf32, #tpu.memory_space<vmem>> -> memref<1x4096xf32, #tpu.memory_space<vmem>>
      %dma_wait3A_100 = tpu.memref_squeeze %dma_wait3A_99 : memref<1x4096xf32, #tpu.memory_space<vmem>> -> memref<4096xf32, #tpu.memory_space<vmem>>
      %dma_wait3A_101 = arith.constant 610304 : i32
      %dma_wait3A_102 = tpu.memref_slice %arg4[%add3A, %dma_wait3A_101] : memref<25x819200xf32, #tpu.memory_space<hbm>> -> memref<1x4096xf32, #tpu.memory_space<hbm>>
      %dma_wait3A_103 = tpu.memref_squeeze %dma_wait3A_102 : memref<1x4096xf32, #tpu.memory_space<hbm>> -> memref<4096xf32, #tpu.memory_space<hbm>>
      %dma_wait3A_104 = arith.constant 610304 : i32
      %dma_wait3A_105 = tpu.memref_slice %arg4[%add3A, %dma_wait3A_104] : memref<25x819200xf32, #tpu.memory_space<hbm>> -> memref<1x4096xf32, #tpu.memory_space<hbm>>
      %dma_wait3A_106 = tpu.memref_squeeze %dma_wait3A_105 : memref<1x4096xf32, #tpu.memory_space<hbm>> -> memref<4096xf32, #tpu.memory_space<hbm>>
      %dma_wait3A_107 = arith.constant 0 : i32
      %dma_wait3A_108 = tpu.memref_slice %arg8[%dma_wait3A_97, %dma_wait3A_107] : memref<2x4096xf32, #tpu.memory_space<vmem>> -> memref<1x4096xf32, #tpu.memory_space<vmem>>
      %dma_wait3A_109 = tpu.memref_squeeze %dma_wait3A_108 : memref<1x4096xf32, #tpu.memory_space<vmem>> -> memref<4096xf32, #tpu.memory_space<vmem>>
      tpu.wait_dma2 semaphore(%arg12 : memref<!tpu.dma_semaphore, #tpu.memory_space<semaphore_mem>>) src(%dma_wait3A_109 : memref<4096xf32, #tpu.memory_space<vmem>>) dst(%dma_wait3A_106 : memref<4096xf32, #tpu.memory_space<hbm>>)
    } else {
    }
    %barrier3A_45 = arith.constant 0 : index
    tpu.barrier barrier_id(%barrier3A_45)
    %mul3A_46 = arith.constant 12800 : i32
    %mul3A_47 = arith.muli %arg1, %mul3A_46 : i32
    %add3A_48 = arith.constant 614400 : i32
    %add3A_49 = arith.addi %add3A_48, %mul3A_47 : i32
    %mul3A_50 = arith.constant 12800 : i32
    %mul3A_51 = arith.muli %arg1, %mul3A_50 : i32
    "tpu.region"() ({
      %run_scoped3A = tpu.sem_alloc : memref<!tpu.dma_semaphore, #tpu.memory_space<semaphore_mem>>
      %dma_start3A = tpu.memref_slice %arg5[%mul3A_51] : memref<204800xi32, #tpu.memory_space<vmem_shared>> -> memref<12800xi32, #tpu.memory_space<vmem_shared>>
      %dma_start3A_59 = tpu.memref_slice %arg3[%add3A_49] : memref<819200xi32, #tpu.memory_space<hbm>> -> memref<12800xi32, #tpu.memory_space<hbm>>
      tpu.enqueue_dma source(%dma_start3A_59 : memref<12800xi32, #tpu.memory_space<hbm>>) target(%dma_start3A : memref<12800xi32, #tpu.memory_space<vmem_shared>>) target_semaphore(%run_scoped3A : memref<!tpu.dma_semaphore, #tpu.memory_space<semaphore_mem>>)
      %dma_wait3A = tpu.memref_slice %arg5[%mul3A_51] : memref<204800xi32, #tpu.memory_space<vmem_shared>> -> memref<12800xi32, #tpu.memory_space<vmem_shared>>
      %dma_wait3A_60 = tpu.memref_slice %arg3[%add3A_49] : memref<819200xi32, #tpu.memory_space<hbm>> -> memref<12800xi32, #tpu.memory_space<hbm>>
      tpu.wait_dma2 semaphore(%run_scoped3A : memref<!tpu.dma_semaphore, #tpu.memory_space<semaphore_mem>>) src(%dma_wait3A_60 : memref<12800xi32, #tpu.memory_space<hbm>>) dst(%dma_wait3A : memref<12800xi32, #tpu.memory_space<vmem_shared>>)
      tpu.yield
    }) : () -> ()
    %barrier3A_52 = arith.constant 0 : index
    tpu.barrier barrier_id(%barrier3A_52)
    %lt3A_53 = arith.constant 25 : i32
    %lt3A_54 = arith.cmpi slt, %add3A, %lt3A_53 : i32
    %convert_element_type3A_55 = arith.extui %lt3A_54 : i1 to i32
    %cond3A_56 = arith.constant 0 : i32
    %cond3A_57 = arith.cmpi ne, %convert_element_type3A_55, %cond3A_56 : i32
    scf.if %cond3A_57 {
      %dma_start3A = arith.constant 0 : i32
      %dma_start3A_59 = arith.constant 0 : i32
      %dma_start3A_60 = tpu.memref_slice %arg7[%dma_start3A, %dma_start3A_59] : memref<2x4096xi32, #tpu.memory_space<vmem>> -> memref<1x4096xi32, #tpu.memory_space<vmem>>
      %dma_start3A_61 = tpu.memref_squeeze %dma_start3A_60 : memref<1x4096xi32, #tpu.memory_space<vmem>> -> memref<4096xi32, #tpu.memory_space<vmem>>
      %dma_start3A_62 = arith.constant 0 : i32
      %dma_start3A_63 = tpu.memref_slice %arg5[%dma_start3A_62] : memref<204800xi32, #tpu.memory_space<vmem_shared>> -> memref<4096xi32, #tpu.memory_space<vmem_shared>>
      %dma_start3A_64 = arith.constant 0 : i32
      %dma_start3A_65 = tpu.memref_slice %arg7[%dma_start3A, %dma_start3A_64] : memref<2x4096xi32, #tpu.memory_space<vmem>> -> memref<1x4096xi32, #tpu.memory_space<vmem>>
      %dma_start3A_66 = tpu.memref_squeeze %dma_start3A_65 : memref<1x4096xi32, #tpu.memory_space<vmem>> -> memref<4096xi32, #tpu.memory_space<vmem>>
      %dma_start3A_67 = arith.constant 0 : i32
      %dma_start3A_68 = tpu.memref_slice %arg5[%dma_start3A_67] : memref<204800xi32, #tpu.memory_space<vmem_shared>> -> memref<4096xi32, #tpu.memory_space<vmem_shared>>
      tpu.enqueue_dma source(%dma_start3A_68 : memref<4096xi32, #tpu.memory_space<vmem_shared>>) target(%dma_start3A_66 : memref<4096xi32, #tpu.memory_space<vmem>>) target_semaphore(%arg9 : memref<!tpu.dma_semaphore, #tpu.memory_space<semaphore_mem>>)
      %dma_start3A_69 = arith.constant 1 : i32
      %dma_start3A_70 = arith.constant 0 : i32
      %dma_start3A_71 = tpu.memref_slice %arg7[%dma_start3A_69, %dma_start3A_70] : memref<2x4096xi32, #tpu.memory_space<vmem>> -> memref<1x4096xi32, #tpu.memory_space<vmem>>
      %dma_start3A_72 = tpu.memref_squeeze %dma_start3A_71 : memref<1x4096xi32, #tpu.memory_space<vmem>> -> memref<4096xi32, #tpu.memory_space<vmem>>
      %dma_start3A_73 = arith.constant 4096 : i32
      %dma_start3A_74 = tpu.memref_slice %arg5[%dma_start3A_73] : memref<204800xi32, #tpu.memory_space<vmem_shared>> -> memref<4096xi32, #tpu.memory_space<vmem_shared>>
      %dma_start3A_75 = arith.constant 0 : i32
      %dma_start3A_76 = tpu.memref_slice %arg7[%dma_start3A_69, %dma_start3A_75] : memref<2x4096xi32, #tpu.memory_space<vmem>> -> memref<1x4096xi32, #tpu.memory_space<vmem>>
      %dma_start3A_77 = tpu.memref_squeeze %dma_start3A_76 : memref<1x4096xi32, #tpu.memory_space<vmem>> -> memref<4096xi32, #tpu.memory_space<vmem>>
      %dma_start3A_78 = arith.constant 4096 : i32
      %dma_start3A_79 = tpu.memref_slice %arg5[%dma_start3A_78] : memref<204800xi32, #tpu.memory_space<vmem_shared>> -> memref<4096xi32, #tpu.memory_space<vmem_shared>>
      tpu.enqueue_dma source(%dma_start3A_79 : memref<4096xi32, #tpu.memory_space<vmem_shared>>) target(%dma_start3A_77 : memref<4096xi32, #tpu.memory_space<vmem>>) target_semaphore(%arg10 : memref<!tpu.dma_semaphore, #tpu.memory_space<semaphore_mem>>)
      %scan3A = arith.constant 0 : i32
      %scan3A_80 = arith.constant 0 : i32
      %scan3A_81 = arith.constant 25 : i32
      %scan3A_82 = arith.addi %scan3A_80, %scan3A_81 : i32
      %scan3A_83 = arith.constant 1 : i32
      scf.for %scan3A_110 = %scan3A_80 to %scan3A_82 step %scan3A_83  : i32 {
        %mul3A_111 = arith.constant 2 : i32
        %mul3A_112 = arith.muli %scan3A_110, %mul3A_111 : i32
        %add3A_113 = arith.constant 0 : i32
        %add3A_114 = arith.addi %mul3A_112, %add3A_113 : i32
        %mul3A_115 = arith.constant 4096 : i32
        %mul3A_116 = arith.muli %add3A_114, %mul3A_115 : i32
        %dma_wait3A_117 = arith.constant 0 : i32
        %dma_wait3A_118 = arith.constant 0 : i32
        %dma_wait3A_119 = tpu.memref_slice %arg7[%dma_wait3A_117, %dma_wait3A_118] : memref<2x4096xi32, #tpu.memory_space<vmem>> -> memref<1x4096xi32, #tpu.memory_space<vmem>>
        %dma_wait3A_120 = tpu.memref_squeeze %dma_wait3A_119 : memref<1x4096xi32, #tpu.memory_space<vmem>> -> memref<4096xi32, #tpu.memory_space<vmem>>
        %dma_wait3A_121 = tpu.memref_slice %arg5[%mul3A_116] : memref<204800xi32, #tpu.memory_space<vmem_shared>> -> memref<4096xi32, #tpu.memory_space<vmem_shared>>
        %dma_wait3A_122 = arith.constant 0 : i32
        %dma_wait3A_123 = tpu.memref_slice %arg7[%dma_wait3A_117, %dma_wait3A_122] : memref<2x4096xi32, #tpu.memory_space<vmem>> -> memref<1x4096xi32, #tpu.memory_space<vmem>>
        %dma_wait3A_124 = tpu.memref_squeeze %dma_wait3A_123 : memref<1x4096xi32, #tpu.memory_space<vmem>> -> memref<4096xi32, #tpu.memory_space<vmem>>
        %dma_wait3A_125 = tpu.memref_slice %arg5[%mul3A_116] : memref<204800xi32, #tpu.memory_space<vmem_shared>> -> memref<4096xi32, #tpu.memory_space<vmem_shared>>
        tpu.wait_dma2 semaphore(%arg9 : memref<!tpu.dma_semaphore, #tpu.memory_space<semaphore_mem>>) src(%dma_wait3A_125 : memref<4096xi32, #tpu.memory_space<vmem_shared>>) dst(%dma_wait3A_124 : memref<4096xi32, #tpu.memory_space<vmem>>)
        %ge3A = arith.constant 2 : i32
        %ge3A_126 = arith.cmpi sge, %add3A_114, %ge3A : i32
        %convert_element_type3A_127 = arith.extui %ge3A_126 : i1 to i32
        %cond3A_128 = arith.constant 0 : i32
        %cond3A_129 = arith.cmpi ne, %convert_element_type3A_127, %cond3A_128 : i32
        scf.if %cond3A_129 {
          %sub3A = arith.constant 2 : i32
          %sub3A_199 = arith.subi %add3A_114, %sub3A : i32
          %mul3A_200 = arith.constant 4096 : i32
          %mul3A_201 = arith.muli %sub3A_199, %mul3A_200 : i32
          %add3A_202 = arith.constant 614400 : i32
          %add3A_203 = arith.addi %add3A_202, %mul3A_201 : i32
          %dma_wait3A_204 = arith.constant 0 : i32
          %dma_wait3A_205 = arith.constant 0 : i32
          %dma_wait3A_206 = tpu.memref_slice %arg8[%dma_wait3A_204, %dma_wait3A_205] : memref<2x4096xf32, #tpu.memory_space<vmem>> -> memref<1x4096xf32, #tpu.memory_space<vmem>>
          %dma_wait3A_207 = tpu.memref_squeeze %dma_wait3A_206 : memref<1x4096xf32, #tpu.memory_space<vmem>> -> memref<4096xf32, #tpu.memory_space<vmem>>
          %dma_wait3A_208 = tpu.memref_slice %arg4[%add3A, %add3A_203] : memref<25x819200xf32, #tpu.memory_space<hbm>> -> memref<1x4096xf32, #tpu.memory_space<hbm>>
          %dma_wait3A_209 = tpu.memref_squeeze %dma_wait3A_208 : memref<1x4096xf32, #tpu.memory_space<hbm>> -> memref<4096xf32, #tpu.memory_space<hbm>>
          %dma_wait3A_210 = tpu.memref_slice %arg4[%add3A, %add3A_203] : memref<25x819200xf32, #tpu.memory_space<hbm>> -> memref<1x4096xf32, #tpu.memory_space<hbm>>
          %dma_wait3A_211 = tpu.memref_squeeze %dma_wait3A_210 : memref<1x4096xf32, #tpu.memory_space<hbm>> -> memref<4096xf32, #tpu.memory_space<hbm>>
          %dma_wait3A_212 = arith.constant 0 : i32
          %dma_wait3A_213 = tpu.memref_slice %arg8[%dma_wait3A_204, %dma_wait3A_212] : memref<2x4096xf32, #tpu.memory_space<vmem>> -> memref<1x4096xf32, #tpu.memory_space<vmem>>
          %dma_wait3A_214 = tpu.memref_squeeze %dma_wait3A_213 : memref<1x4096xf32, #tpu.memory_space<vmem>> -> memref<4096xf32, #tpu.memory_space<vmem>>
          tpu.wait_dma2 semaphore(%arg11 : memref<!tpu.dma_semaphore, #tpu.memory_space<semaphore_mem>>) src(%dma_wait3A_214 : memref<4096xf32, #tpu.memory_space<vmem>>) dst(%dma_wait3A_211 : memref<4096xf32, #tpu.memory_space<hbm>>)
        } else {
        }
        %parallel_loop3A = arith.constant 0 : i32
        %parallel_loop3A_130 = arith.constant 256 : i32
        %parallel_loop3A_131 = arith.constant 1 : i32
        scf.for %parallel_loop3A_199 = %parallel_loop3A to %parallel_loop3A_130 step %parallel_loop3A_131  : i32 {
          %parallel_loop3A_200 = arith.constant 16 : i32
          %parallel_loop3A_201 = arith.muli %parallel_loop3A_199, %parallel_loop3A_200 : i32
          %parallel_loop3A_202 = arith.constant 0 : i32
          %parallel_loop3A_203 = arith.index_cast %parallel_loop3A_202 : i32 to index
          %parallel_loop3A_204 = arith.index_cast %parallel_loop3A_201 : i32 to index
          %parallel_loop3A_205 = tpu.vector_load %arg7[%parallel_loop3A_203, %parallel_loop3A_204] {strides = array<i32>} : memref<2x4096xi32, #tpu.memory_space<vmem>>, vector<16xi32>,
          %parallel_loop3A_206 = tpu.vector_load_idx %arg6[%parallel_loop3A_205] : memref<100000xf32, #tpu.memory_space<vmem>>[vector<16xi32>], vector<16xf32>,
          %parallel_loop3A_207 = arith.constant 16 : i32
          %parallel_loop3A_208 = arith.muli %parallel_loop3A_199, %parallel_loop3A_207 : i32
          %parallel_loop3A_209 = arith.constant 0 : i32
          %parallel_loop3A_210 = arith.index_cast %parallel_loop3A_209 : i32 to index
          %parallel_loop3A_211 = arith.index_cast %parallel_loop3A_208 : i32 to index
          %parallel_loop3A_212 = tpu.vector_load %arg8[%parallel_loop3A_210, %parallel_loop3A_211] {strides = array<i32>} : memref<2x4096xf32, #tpu.memory_space<vmem>>, vector<16xf32>,
          tpu.vector_store %arg8[%parallel_loop3A_210, %parallel_loop3A_211], %parallel_loop3A_206 {strides = array<i32>} : memref<2x4096xf32, #tpu.memory_space<vmem>>, vector<16xf32>,
        } {sc.loop_unroll_factor = 16 : i64, sc.parallel_access}
        %mul3A_132 = arith.constant 4096 : i32
        %mul3A_133 = arith.muli %add3A_114, %mul3A_132 : i32
        %add3A_134 = arith.constant 614400 : i32
        %add3A_135 = arith.addi %add3A_134, %mul3A_133 : i32
        %dma_start3A_136 = arith.constant 0 : i32
        %dma_start3A_137 = arith.constant 0 : i32
        %dma_start3A_138 = tpu.memref_slice %arg8[%dma_start3A_136, %dma_start3A_137] : memref<2x4096xf32, #tpu.memory_space<vmem>> -> memref<1x4096xf32, #tpu.memory_space<vmem>>
        %dma_start3A_139 = tpu.memref_squeeze %dma_start3A_138 : memref<1x4096xf32, #tpu.memory_space<vmem>> -> memref<4096xf32, #tpu.memory_space<vmem>>
        %dma_start3A_140 = tpu.memref_slice %arg4[%add3A, %add3A_135] : memref<25x819200xf32, #tpu.memory_space<hbm>> -> memref<1x4096xf32, #tpu.memory_space<hbm>>
        %dma_start3A_141 = tpu.memref_squeeze %dma_start3A_140 : memref<1x4096xf32, #tpu.memory_space<hbm>> -> memref<4096xf32, #tpu.memory_space<hbm>>
        %dma_start3A_142 = tpu.memref_slice %arg4[%add3A, %add3A_135] : memref<25x819200xf32, #tpu.memory_space<hbm>> -> memref<1x4096xf32, #tpu.memory_space<hbm>>
        %dma_start3A_143 = tpu.memref_squeeze %dma_start3A_142 : memref<1x4096xf32, #tpu.memory_space<hbm>> -> memref<4096xf32, #tpu.memory_space<hbm>>
        %dma_start3A_144 = arith.constant 0 : i32
        %dma_start3A_145 = tpu.memref_slice %arg8[%dma_start3A_136, %dma_start3A_144] : memref<2x4096xf32, #tpu.memory_space<vmem>> -> memref<1x4096xf32, #tpu.memory_space<vmem>>
        %dma_start3A_146 = tpu.memref_squeeze %dma_start3A_145 : memref<1x4096xf32, #tpu.memory_space<vmem>> -> memref<4096xf32, #tpu.memory_space<vmem>>
        tpu.enqueue_dma source(%dma_start3A_146 : memref<4096xf32, #tpu.memory_space<vmem>>) target(%dma_start3A_143 : memref<4096xf32, #tpu.memory_space<hbm>>) target_semaphore(%arg11 : memref<!tpu.dma_semaphore, #tpu.memory_space<semaphore_mem>>)
        %add3A_147 = arith.constant 2 : i32
        %add3A_148 = arith.addi %add3A_114, %add3A_147 : i32
        %lt3A_149 = arith.constant 50 : i32
        %lt3A_150 = arith.cmpi slt, %add3A_148, %lt3A_149 : i32
        %convert_element_type3A_151 = arith.extui %lt3A_150 : i1 to i32
        %cond3A_152 = arith.constant 0 : i32
        %cond3A_153 = arith.cmpi ne, %convert_element_type3A_151, %cond3A_152 : i32
        scf.if %cond3A_153 {
          %add3A_199 = arith.constant 2 : i32
          %add3A_200 = arith.addi %add3A_114, %add3A_199 : i32
          %mul3A_201 = arith.constant 4096 : i32
          %mul3A_202 = arith.muli %add3A_200, %mul3A_201 : i32
          %dma_start3A_203 = arith.constant 0 : i32
          %dma_start3A_204 = arith.constant 0 : i32
          %dma_start3A_205 = tpu.memref_slice %arg7[%dma_start3A_203, %dma_start3A_204] : memref<2x4096xi32, #tpu.memory_space<vmem>> -> memref<1x4096xi32, #tpu.memory_space<vmem>>
          %dma_start3A_206 = tpu.memref_squeeze %dma_start3A_205 : memref<1x4096xi32, #tpu.memory_space<vmem>> -> memref<4096xi32, #tpu.memory_space<vmem>>
          %dma_start3A_207 = tpu.memref_slice %arg5[%mul3A_202] : memref<204800xi32, #tpu.memory_space<vmem_shared>> -> memref<4096xi32, #tpu.memory_space<vmem_shared>>
          %dma_start3A_208 = arith.constant 0 : i32
          %dma_start3A_209 = tpu.memref_slice %arg7[%dma_start3A_203, %dma_start3A_208] : memref<2x4096xi32, #tpu.memory_space<vmem>> -> memref<1x4096xi32, #tpu.memory_space<vmem>>
          %dma_start3A_210 = tpu.memref_squeeze %dma_start3A_209 : memref<1x4096xi32, #tpu.memory_space<vmem>> -> memref<4096xi32, #tpu.memory_space<vmem>>
          %dma_start3A_211 = tpu.memref_slice %arg5[%mul3A_202] : memref<204800xi32, #tpu.memory_space<vmem_shared>> -> memref<4096xi32, #tpu.memory_space<vmem_shared>>
          tpu.enqueue_dma source(%dma_start3A_211 : memref<4096xi32, #tpu.memory_space<vmem_shared>>) target(%dma_start3A_210 : memref<4096xi32, #tpu.memory_space<vmem>>) target_semaphore(%arg9 : memref<!tpu.dma_semaphore, #tpu.memory_space<semaphore_mem>>)
        } else {
        }
        %mul3A_154 = arith.constant 2 : i32
        %mul3A_155 = arith.muli %scan3A_110, %mul3A_154 : i32
        %add3A_156 = arith.constant 1 : i32
        %add3A_157 = arith.addi %mul3A_155, %add3A_156 : i32
        %mul3A_158 = arith.constant 4096 : i32
        %mul3A_159 = arith.muli %add3A_157, %mul3A_158 : i32
        %dma_wait3A_160 = arith.constant 1 : i32
        %dma_wait3A_161 = arith.constant 0 : i32
        %dma_wait3A_162 = tpu.memref_slice %arg7[%dma_wait3A_160, %dma_wait3A_161] : memref<2x4096xi32, #tpu.memory_space<vmem>> -> memref<1x4096xi32, #tpu.memory_space<vmem>>
        %dma_wait3A_163 = tpu.memref_squeeze %dma_wait3A_162 : memref<1x4096xi32, #tpu.memory_space<vmem>> -> memref<4096xi32, #tpu.memory_space<vmem>>
        %dma_wait3A_164 = tpu.memref_slice %arg5[%mul3A_159] : memref<204800xi32, #tpu.memory_space<vmem_shared>> -> memref<4096xi32, #tpu.memory_space<vmem_shared>>
        %dma_wait3A_165 = arith.constant 0 : i32
        %dma_wait3A_166 = tpu.memref_slice %arg7[%dma_wait3A_160, %dma_wait3A_165] : memref<2x4096xi32, #tpu.memory_space<vmem>> -> memref<1x4096xi32, #tpu.memory_space<vmem>>
        %dma_wait3A_167 = tpu.memref_squeeze %dma_wait3A_166 : memref<1x4096xi32, #tpu.memory_space<vmem>> -> memref<4096xi32, #tpu.memory_space<vmem>>
        %dma_wait3A_168 = tpu.memref_slice %arg5[%mul3A_159] : memref<204800xi32, #tpu.memory_space<vmem_shared>> -> memref<4096xi32, #tpu.memory_space<vmem_shared>>
        tpu.wait_dma2 semaphore(%arg10 : memref<!tpu.dma_semaphore, #tpu.memory_space<semaphore_mem>>) src(%dma_wait3A_168 : memref<4096xi32, #tpu.memory_space<vmem_shared>>) dst(%dma_wait3A_167 : memref<4096xi32, #tpu.memory_space<vmem>>)
        %ge3A_169 = arith.constant 2 : i32
        %ge3A_170 = arith.cmpi sge, %add3A_157, %ge3A_169 : i32
        %convert_element_type3A_171 = arith.extui %ge3A_170 : i1 to i32
        %cond3A_172 = arith.constant 0 : i32
        %cond3A_173 = arith.cmpi ne, %convert_element_type3A_171, %cond3A_172 : i32
        scf.if %cond3A_173 {
          %sub3A = arith.constant 2 : i32
          %sub3A_199 = arith.subi %add3A_157, %sub3A : i32
          %mul3A_200 = arith.constant 4096 : i32
          %mul3A_201 = arith.muli %sub3A_199, %mul3A_200 : i32
          %add3A_202 = arith.constant 614400 : i32
          %add3A_203 = arith.addi %add3A_202, %mul3A_201 : i32
          %dma_wait3A_204 = arith.constant 1 : i32
          %dma_wait3A_205 = arith.constant 0 : i32
          %dma_wait3A_206 = tpu.memref_slice %arg8[%dma_wait3A_204, %dma_wait3A_205] : memref<2x4096xf32, #tpu.memory_space<vmem>> -> memref<1x4096xf32, #tpu.memory_space<vmem>>
          %dma_wait3A_207 = tpu.memref_squeeze %dma_wait3A_206 : memref<1x4096xf32, #tpu.memory_space<vmem>> -> memref<4096xf32, #tpu.memory_space<vmem>>
          %dma_wait3A_208 = tpu.memref_slice %arg4[%add3A, %add3A_203] : memref<25x819200xf32, #tpu.memory_space<hbm>> -> memref<1x4096xf32, #tpu.memory_space<hbm>>
          %dma_wait3A_209 = tpu.memref_squeeze %dma_wait3A_208 : memref<1x4096xf32, #tpu.memory_space<hbm>> -> memref<4096xf32, #tpu.memory_space<hbm>>
          %dma_wait3A_210 = tpu.memref_slice %arg4[%add3A, %add3A_203] : memref<25x819200xf32, #tpu.memory_space<hbm>> -> memref<1x4096xf32, #tpu.memory_space<hbm>>
          %dma_wait3A_211 = tpu.memref_squeeze %dma_wait3A_210 : memref<1x4096xf32, #tpu.memory_space<hbm>> -> memref<4096xf32, #tpu.memory_space<hbm>>
          %dma_wait3A_212 = arith.constant 0 : i32
          %dma_wait3A_213 = tpu.memref_slice %arg8[%dma_wait3A_204, %dma_wait3A_212] : memref<2x4096xf32, #tpu.memory_space<vmem>> -> memref<1x4096xf32, #tpu.memory_space<vmem>>
          %dma_wait3A_214 = tpu.memref_squeeze %dma_wait3A_213 : memref<1x4096xf32, #tpu.memory_space<vmem>> -> memref<4096xf32, #tpu.memory_space<vmem>>
          tpu.wait_dma2 semaphore(%arg12 : memref<!tpu.dma_semaphore, #tpu.memory_space<semaphore_mem>>) src(%dma_wait3A_214 : memref<4096xf32, #tpu.memory_space<vmem>>) dst(%dma_wait3A_211 : memref<4096xf32, #tpu.memory_space<hbm>>)
        } else {
        }
        %parallel_loop3A_174 = arith.constant 0 : i32
        %parallel_loop3A_175 = arith.constant 256 : i32
        %parallel_loop3A_176 = arith.constant 1 : i32
        scf.for %parallel_loop3A_199 = %parallel_loop3A_174 to %parallel_loop3A_175 step %parallel_loop3A_176  : i32 {
          %parallel_loop3A_200 = arith.constant 16 : i32
          %parallel_loop3A_201 = arith.muli %parallel_loop3A_199, %parallel_loop3A_200 : i32
          %parallel_loop3A_202 = arith.constant 1 : i32
          %parallel_loop3A_203 = arith.index_cast %parallel_loop3A_202 : i32 to index
          %parallel_loop3A_204 = arith.index_cast %parallel_loop3A_201 : i32 to index
          %parallel_loop3A_205 = tpu.vector_load %arg7[%parallel_loop3A_203, %parallel_loop3A_204] {strides = array<i32>} : memref<2x4096xi32, #tpu.memory_space<vmem>>, vector<16xi32>,
          %parallel_loop3A_206 = tpu.vector_load_idx %arg6[%parallel_loop3A_205] : memref<100000xf32, #tpu.memory_space<vmem>>[vector<16xi32>], vector<16xf32>,
          %parallel_loop3A_207 = arith.constant 16 : i32
          %parallel_loop3A_208 = arith.muli %parallel_loop3A_199, %parallel_loop3A_207 : i32
          %parallel_loop3A_209 = arith.constant 1 : i32
          %parallel_loop3A_210 = arith.index_cast %parallel_loop3A_209 : i32 to index
          %parallel_loop3A_211 = arith.index_cast %parallel_loop3A_208 : i32 to index
          %parallel_loop3A_212 = tpu.vector_load %arg8[%parallel_loop3A_210, %parallel_loop3A_211] {strides = array<i32>} : memref<2x4096xf32, #tpu.memory_space<vmem>>, vector<16xf32>,
          tpu.vector_store %arg8[%parallel_loop3A_210, %parallel_loop3A_211], %parallel_loop3A_206 {strides = array<i32>} : memref<2x4096xf32, #tpu.memory_space<vmem>>, vector<16xf32>,
        } {sc.loop_unroll_factor = 16 : i64, sc.parallel_access}
        %mul3A_177 = arith.constant 4096 : i32
        %mul3A_178 = arith.muli %add3A_157, %mul3A_177 : i32
        %add3A_179 = arith.constant 614400 : i32
        %add3A_180 = arith.addi %add3A_179, %mul3A_178 : i32
        %dma_start3A_181 = arith.constant 1 : i32
        %dma_start3A_182 = arith.constant 0 : i32
        %dma_start3A_183 = tpu.memref_slice %arg8[%dma_start3A_181, %dma_start3A_182] : memref<2x4096xf32, #tpu.memory_space<vmem>> -> memref<1x4096xf32, #tpu.memory_space<vmem>>
        %dma_start3A_184 = tpu.memref_squeeze %dma_start3A_183 : memref<1x4096xf32, #tpu.memory_space<vmem>> -> memref<4096xf32, #tpu.memory_space<vmem>>
        %dma_start3A_185 = tpu.memref_slice %arg4[%add3A, %add3A_180] : memref<25x819200xf32, #tpu.memory_space<hbm>> -> memref<1x4096xf32, #tpu.memory_space<hbm>>
        %dma_start3A_186 = tpu.memref_squeeze %dma_start3A_185 : memref<1x4096xf32, #tpu.memory_space<hbm>> -> memref<4096xf32, #tpu.memory_space<hbm>>
        %dma_start3A_187 = tpu.memref_slice %arg4[%add3A, %add3A_180] : memref<25x819200xf32, #tpu.memory_space<hbm>> -> memref<1x4096xf32, #tpu.memory_space<hbm>>
        %dma_start3A_188 = tpu.memref_squeeze %dma_start3A_187 : memref<1x4096xf32, #tpu.memory_space<hbm>> -> memref<4096xf32, #tpu.memory_space<hbm>>
        %dma_start3A_189 = arith.constant 0 : i32
        %dma_start3A_190 = tpu.memref_slice %arg8[%dma_start3A_181, %dma_start3A_189] : memref<2x4096xf32, #tpu.memory_space<vmem>> -> memref<1x4096xf32, #tpu.memory_space<vmem>>
        %dma_start3A_191 = tpu.memref_squeeze %dma_start3A_190 : memref<1x4096xf32, #tpu.memory_space<vmem>> -> memref<4096xf32, #tpu.memory_space<vmem>>
        tpu.enqueue_dma source(%dma_start3A_191 : memref<4096xf32, #tpu.memory_space<vmem>>) target(%dma_start3A_188 : memref<4096xf32, #tpu.memory_space<hbm>>) target_semaphore(%arg12 : memref<!tpu.dma_semaphore, #tpu.memory_space<semaphore_mem>>)
        %add3A_192 = arith.constant 2 : i32
        %add3A_193 = arith.addi %add3A_157, %add3A_192 : i32
        %lt3A_194 = arith.constant 50 : i32
        %lt3A_195 = arith.cmpi slt, %add3A_193, %lt3A_194 : i32
        %convert_element_type3A_196 = arith.extui %lt3A_195 : i1 to i32
        %cond3A_197 = arith.constant 0 : i32
        %cond3A_198 = arith.cmpi ne, %convert_element_type3A_196, %cond3A_197 : i32
        scf.if %cond3A_198 {
          %add3A_199 = arith.constant 2 : i32
          %add3A_200 = arith.addi %add3A_157, %add3A_199 : i32
          %mul3A_201 = arith.constant 4096 : i32
          %mul3A_202 = arith.muli %add3A_200, %mul3A_201 : i32
          %dma_start3A_203 = arith.constant 1 : i32
          %dma_start3A_204 = arith.constant 0 : i32
          %dma_start3A_205 = tpu.memref_slice %arg7[%dma_start3A_203, %dma_start3A_204] : memref<2x4096xi32, #tpu.memory_space<vmem>> -> memref<1x4096xi32, #tpu.memory_space<vmem>>
          %dma_start3A_206 = tpu.memref_squeeze %dma_start3A_205 : memref<1x4096xi32, #tpu.memory_space<vmem>> -> memref<4096xi32, #tpu.memory_space<vmem>>
          %dma_start3A_207 = tpu.memref_slice %arg5[%mul3A_202] : memref<204800xi32, #tpu.memory_space<vmem_shared>> -> memref<4096xi32, #tpu.memory_space<vmem_shared>>
          %dma_start3A_208 = arith.constant 0 : i32
          %dma_start3A_209 = tpu.memref_slice %arg7[%dma_start3A_203, %dma_start3A_208] : memref<2x4096xi32, #tpu.memory_space<vmem>> -> memref<1x4096xi32, #tpu.memory_space<vmem>>
          %dma_start3A_210 = tpu.memref_squeeze %dma_start3A_209 : memref<1x4096xi32, #tpu.memory_space<vmem>> -> memref<4096xi32, #tpu.memory_space<vmem>>
          %dma_start3A_211 = tpu.memref_slice %arg5[%mul3A_202] : memref<204800xi32, #tpu.memory_space<vmem_shared>> -> memref<4096xi32, #tpu.memory_space<vmem_shared>>
          tpu.enqueue_dma source(%dma_start3A_211 : memref<4096xi32, #tpu.memory_space<vmem_shared>>) target(%dma_start3A_210 : memref<4096xi32, #tpu.memory_space<vmem>>) target_semaphore(%arg10 : memref<!tpu.dma_semaphore, #tpu.memory_space<semaphore_mem>>)
        } else {
        }
      }
      %scan3A_84 = arith.constant 25 : i32
      %dma_wait3A = arith.constant 0 : i32
      %dma_wait3A_85 = arith.constant 0 : i32
      %dma_wait3A_86 = tpu.memref_slice %arg8[%dma_wait3A, %dma_wait3A_85] : memref<2x4096xf32, #tpu.memory_space<vmem>> -> memref<1x4096xf32, #tpu.memory_space<vmem>>
      %dma_wait3A_87 = tpu.memref_squeeze %dma_wait3A_86 : memref<1x4096xf32, #tpu.memory_space<vmem>> -> memref<4096xf32, #tpu.memory_space<vmem>>
      %dma_wait3A_88 = arith.constant 811008 : i32
      %dma_wait3A_89 = tpu.memref_slice %arg4[%add3A, %dma_wait3A_88] : memref<25x819200xf32, #tpu.memory_space<hbm>> -> memref<1x4096xf32, #tpu.memory_space<hbm>>
      %dma_wait3A_90 = tpu.memref_squeeze %dma_wait3A_89 : memref<1x4096xf32, #tpu.memory_space<hbm>> -> memref<4096xf32, #tpu.memory_space<hbm>>
      %dma_wait3A_91 = arith.constant 811008 : i32
      %dma_wait3A_92 = tpu.memref_slice %arg4[%add3A, %dma_wait3A_91] : memref<25x819200xf32, #tpu.memory_space<hbm>> -> memref<1x4096xf32, #tpu.memory_space<hbm>>
      %dma_wait3A_93 = tpu.memref_squeeze %dma_wait3A_92 : memref<1x4096xf32, #tpu.memory_space<hbm>> -> memref<4096xf32, #tpu.memory_space<hbm>>
      %dma_wait3A_94 = arith.constant 0 : i32
      %dma_wait3A_95 = tpu.memref_slice %arg8[%dma_wait3A, %dma_wait3A_94] : memref<2x4096xf32, #tpu.memory_space<vmem>> -> memref<1x4096xf32, #tpu.memory_space<vmem>>
      %dma_wait3A_96 = tpu.memref_squeeze %dma_wait3A_95 : memref<1x4096xf32, #tpu.memory_space<vmem>> -> memref<4096xf32, #tpu.memory_space<vmem>>
      tpu.wait_dma2 semaphore(%arg11 : memref<!tpu.dma_semaphore, #tpu.memory_space<semaphore_mem>>) src(%dma_wait3A_96 : memref<4096xf32, #tpu.memory_space<vmem>>) dst(%dma_wait3A_93 : memref<4096xf32, #tpu.memory_space<hbm>>)
      %dma_wait3A_97 = arith.constant 1 : i32
      %dma_wait3A_98 = arith.constant 0 : i32
      %dma_wait3A_99 = tpu.memref_slice %arg8[%dma_wait3A_97, %dma_wait3A_98] : memref<2x4096xf32, #tpu.memory_space<vmem>> -> memref<1x4096xf32, #tpu.memory_space<vmem>>
      %dma_wait3A_100 = tpu.memref_squeeze %dma_wait3A_99 : memref<1x4096xf32, #tpu.memory_space<vmem>> -> memref<4096xf32, #tpu.memory_space<vmem>>
      %dma_wait3A_101 = arith.constant 815104 : i32
      %dma_wait3A_102 = tpu.memref_slice %arg4[%add3A, %dma_wait3A_101] : memref<25x819200xf32, #tpu.memory_space<hbm>> -> memref<1x4096xf32, #tpu.memory_space<hbm>>
      %dma_wait3A_103 = tpu.memref_squeeze %dma_wait3A_102 : memref<1x4096xf32, #tpu.memory_space<hbm>> -> memref<4096xf32, #tpu.memory_space<hbm>>
      %dma_wait3A_104 = arith.constant 815104 : i32
      %dma_wait3A_105 = tpu.memref_slice %arg4[%add3A, %dma_wait3A_104] : memref<25x819200xf32, #tpu.memory_space<hbm>> -> memref<1x4096xf32, #tpu.memory_space<hbm>>
      %dma_wait3A_106 = tpu.memref_squeeze %dma_wait3A_105 : memref<1x4096xf32, #tpu.memory_space<hbm>> -> memref<4096xf32, #tpu.memory_space<hbm>>
      %dma_wait3A_107 = arith.constant 0 : i32
      %dma_wait3A_108 = tpu.memref_slice %arg8[%dma_wait3A_97, %dma_wait3A_107] : memref<2x4096xf32, #tpu.memory_space<vmem>> -> memref<1x4096xf32, #tpu.memory_space<vmem>>
      %dma_wait3A_109 = tpu.memref_squeeze %dma_wait3A_108 : memref<1x4096xf32, #tpu.memory_space<vmem>> -> memref<4096xf32, #tpu.memory_space<vmem>>
      tpu.wait_dma2 semaphore(%arg12 : memref<!tpu.dma_semaphore, #tpu.memory_space<semaphore_mem>>) src(%dma_wait3A_109 : memref<4096xf32, #tpu.memory_space<vmem>>) dst(%dma_wait3A_106 : memref<4096xf32, #tpu.memory_space<hbm>>)
    } else {
    }
    %barrier3A_58 = arith.constant 0 : index
    tpu.barrier barrier_id(%barrier3A_58)
    return
  }
}

</mosaic_0001>

<sc_bundles>
// kernel: kernel.3.cloned.1.call-start
scs
__scs_entry_jumppad:
0x0: {  	(pc) =	sbr.rel $0x88, $3  }
0x1: {  	(tag) =	ssettag $0x0;
	lr =	simm.s32 $0x1  }
0x2: {  	[smem:$0x3F9F] =	sst lr;
	_ =	strace $0xD0000000  }
0x3: {  	_ = 	snop  }
0x4: {  	_ = 	snop  }
0x5: {  	_ = 	snop  }
0x6: {  	_ = 	snop  }
0x7: {  	_ = 	snop  }
__scs_overlays_trampoline_lowered:
0x8: {  	[smem:$0x3FAE] =	sst s0  }
0x9: {  	[smem:$0x3FAF] =	sst s1  }
0xa: {  	[smem:$0x3FB0] =	sst s2  }
0xb: {  	[smem:$0x3FB1] =	sst s3  }
0xc: {  	[smem:$0x3FB2] =	sst s4  }
0xd: {  	[smem:$0x3FB3] =	sst s5  }
0xe: {  	[smem:$0x3FB4] =	sst s6  }
0xf: {  	[smem:$0x3FB5] =	sst s7  }
0x10: {  	[smem:$0x3FB6] =	sst s8  }
0x11: {  	[smem:$0x3FB7] =	sst s9;
	s0 =	simm.s32 @!p0 $0x0  }
0x12: {  	s1 =	sld [smem:$0x3F9D];
	s0 =	simm.s32 @p0 $0x1  }
0x13: {  	[smem:$0x3FB8] =	sst s0;
	s0 =	simm.s32 @!p1 $0x0  }
0x14: {  	s2 =	sld [smem:$0x3F9C];
	s0 =	simm.s32 @p1 $0x1  }
0x15: {  	[smem:$0x3FB9] =	sst s0;
	s0 =	simm.s32 @!p2 $0x0  }
0x16: {  	s3 =	sld [smem:$0x3FDB];
	s0 =	simm.s32 @p2 $0x1  }
0x17: {  	s4 =	simm.s32 $0x1BF5;
	[smem:$0x3FBB] =	sst s0  }
0x18: {  	s0 =	sld [smem:$0x3F9E];
	_ =	swait.ge [sflag:s4], $0x0  }
0x19: {  	s7 =	sld [smem:$0x3F9F]  }
0x1a: {  	s8 =	sadd.s32 $0xFFFFE003, lr  }
0x1b: {  	s9 =	sadd.s32 $0xFFFFFEF7, lr;
	s5 =	simm.s32 $0xFFFFFFFF;
	p2 =	slt.u32 s8, $0xFFFFF086  }
0x1c: {  	p1 =	slt.u32 s9, $0xF7A;
	s5 =	simm.s32 @!p2 $0x0  }
0x1d: {  	s5 =	simm.s32 @p1 $0x1;
	p0 =	seq.s32 s7, s2  }
0x1e: {  	s7 =	smul.u32 @!p0 $0xF7A, s2;
	p2 =	seq.s32 @!p0 s5, $0x0  }
0x1f: {  	s9 =	smul.u32 $0xF7A, s1;
	s8 =	simm.s32 @!p0 $0x1BF5;
	p2 =	por !p2, p0  }
0x20: {  	[sflag:s8] =	ssyncset.s32 @!p0 $0xFFFFF086;
	s6 =	sadd.s32 @!p0 s3, s7;
	s7 =	simm.s32 @!p0 $0x108  }
0x21: {  	s3 =	sadd.s32 s3, s9;
	s6 =	sadd.s32 @!p0 $0x88, s6;
	s7 =	simm.s32 @p2 $0x1082  }
0x22: {  	[simem:s7], [sflag:s8] =	dma.local @!p0 [hbm:s6], $0xF7A  }
0x23: {  	s9 =	sor.u32 $0xD0000000, s2;
	s6 =	simm.s32 $0x108;
	_ =	swait.ge @!p0 [sflag:s8], $0x0  }
0x24: {  	s3 =	sadd.s32 $0x88, s3;
	s6 =	simm.s32 @!p1 $0x1082;
	[sflag:s4] =	ssyncset.s32 $0xFFFFF086  }
0x25: {  	[simem:s6], [sflag:s4] =	dma.local [hbm:s3], $0xF7A  }
0x26: {  	[smem:$0x3F9F] =	sst s1;
	(tag) =	ssettag s2;
	_ =	strace s9  }
0x27: {  	s1 =	sld [smem:$0x3FAF]  }
0x28: {  	s2 =	sld [smem:$0x3FB0]  }
0x29: {  	s4 =	sld [smem:$0x3FB2]  }
0x2a: {  	p0 =	seq.s32 s5, $0x0;
	s5 =	sld [smem:$0x3FB3]  }
0x2b: {  	s6 =	sld [smem:$0x3FB4]  }
0x2c: {  	s7 =	sld [smem:$0x3FB5]  }
0x2d: {  	s3 =	simm.s32 $0x108;
	s8 =	sld [smem:$0x3FB6]  }
0x2e: {  	s3 =	simm.s32 @!p0 $0x1082;
	s9 =	sld [smem:$0x3FB7]  }
0x2f: {  	lr =	sadd.s32 s0, s3;
	s0 =	sld [smem:$0x3FAE]  }
0x30: {  	s3 =	sld [smem:$0x3FB1]  }
0x31: {  	[smem:$0x3FBA] =	sst s10  }
0x32: {  	s10 =	sld [smem:$0x3FB8];
	_ =	sdelay $0x3  }
0x33: {  	p0 =	seq.s32 s10, $0x1;
	s10 =	sld [smem:$0x3FBA];
	_ =	sdelay $0x3  }
0x34: {  	[smem:$0x3FBA] =	sst s10  }
0x35: {  	s10 =	sld [smem:$0x3FB9];
	_ =	sdelay $0x3  }
0x36: {  	p1 =	seq.s32 s10, $0x1;
	s10 =	sld [smem:$0x3FBA];
	_ =	sdelay $0x3  }
0x37: {  	[smem:$0x3FBA] =	sst s10  }
0x38: {  	s10 =	sld [smem:$0x3FBB]  }
0x39: {  	_ = 	snop;
	(pc) =	sbr.ind lr, $3  }
0x3a: {  	_ = 	snop  }
0x3b: {  	_ = 	snop  }
0x3c: {  	p2 =	seq.s32 s10, $0x1;
	s10 =	sld [smem:$0x3FBA]  }
0x3d: {  	_ =	shalt  }
0x3e: {  	_ =	shalt  }
0x3f: {  	_ =	shalt  }
0x40: {  	_ =	shalt  }
0x41: {  	_ =	shalt  }
0x42: {  	_ =	shalt  }
0x43: {  	_ =	shalt  }
0x44: {  	_ =	shalt  }
0x45: {  	_ =	shalt  }
0x46: {  	_ =	shalt  }
0x47: {  	_ =	shalt  }
0x48: {  	_ =	shalt  }
0x49: {  	_ =	shalt  }
0x4a: {  	_ =	shalt  }
0x4b: {  	_ =	shalt  }
0x4c: {  	_ =	shalt  }
0x4d: {  	_ =	shalt  }
0x4e: {  	_ =	shalt  }
0x4f: {  	_ =	shalt  }
0x50: {  	_ =	shalt  }
0x51: {  	_ =	shalt  }
0x52: {  	_ =	shalt  }
0x53: {  	_ =	shalt  }
0x54: {  	_ =	shalt  }
0x55: {  	_ =	shalt  }
0x56: {  	_ =	shalt  }
0x57: {  	_ =	shalt  }
0x58: {  	_ =	shalt  }
0x59: {  	_ =	shalt  }
0x5a: {  	_ =	shalt  }
0x5b: {  	_ =	shalt  }
0x5c: {  	_ =	shalt  }
0x5d: {  	_ =	shalt  }
0x5e: {  	_ =	shalt  }
0x5f: {  	_ =	shalt  }
0x60: {  	_ =	shalt  }
0x61: {  	_ =	shalt  }
0x62: {  	_ =	shalt  }
0x63: {  	_ =	shalt  }
0x64: {  	_ =	shalt  }
0x65: {  	_ =	shalt  }
0x66: {  	_ =	shalt  }
0x67: {  	_ =	shalt  }
0x68: {  	_ =	shalt  }
0x69: {  	_ =	shalt  }
0x6a: {  	_ =	shalt  }
0x6b: {  	_ =	shalt  }
0x6c: {  	_ =	shalt  }
0x6d: {  	_ =	shalt  }
0x6e: {  	_ =	shalt  }
0x6f: {  	_ =	shalt  }
0x70: {  	_ =	shalt  }
0x71: {  	_ =	shalt  }
0x72: {  	_ =	shalt  }
0x73: {  	_ =	shalt  }
0x74: {  	_ =	shalt  }
0x75: {  	_ =	shalt  }
0x76: {  	_ =	shalt  }
0x77: {  	_ =	shalt  }
0x78: {  	_ =	shalt  }
0x79: {  	_ =	shalt  }
0x7a: {  	_ =	shalt  }
0x7b: {  	_ =	shalt  }
0x7c: {  	_ =	shalt  }
0x7d: {  	_ =	shalt  }
0x7e: {  	_ =	shalt  }
0x7f: {  	_ =	shalt  }
0x80: {  	_ =	shalt  }
0x81: {  	_ =	shalt  }
0x82: {  	_ =	shalt  }
0x83: {  	_ =	shalt  }
0x84: {  	_ =	shalt  }
0x85: {  	_ =	shalt  }
0x86: {  	_ =	shalt  }
0x87: {  	_ =	shalt  }
.Lfunc_end0:
.L_simem_size_0:
called_computation_lowered:
.L_overlay_start_0:
0x88: {  	s2 =	sld [smem:$0x3FD9]  }
0x89: {  	s3 =	sld [smem:$0x3FFE];
	_ =	sdelay $0x1  }
0x8a: {  	s1 =	srdreg.scid  }
0x8b: {  	s0 =	sand.u32 $0x1, s1  }
0x8c: {  	s17 =	sshll.u32 s0, $0xA;
	s2 =	sadd.s32 s3, s2  }
0x8d: {  	s2 =	sadd.s32 s2, s17  }
0x8e: {  	[smem:$0x3FC6] =	sst s2  }
0x8f: {  	_ = 	snop  }
0x90: {  	s2 =	sld [smem:$0x3FC9]  }
0x91: {  	s18 =	sld [smem:$0x3FD0];
	(tm) =	ssettm $0x1  }
0x92: {  	s4 =	sld [smem:$0x3FFB];
	_ =	sdelay $0x3  }
0x93: {  	_ =	strace s4  }
0x94: {  	s4 =	sld [smem:$0x3FFC];
	_ =	sdelay $0x3  }
0x95: {  	_ =	strace s4  }
0x96: {  	s4 =	sld [smem:$0x3FFD];
	_ =	sdelay $0x3  }
0x97: {  	_ =	strace s4  }
0x98: {  	_ =	strace $0x8FFFFFFF  }
0x99: {  	s19 =	sld [smem:$0x3FDB];
	_ =	sdelay $0x1  }
0x9a: {  	s5 =	simm.s32 $_scs_section_size  }
0x9b: {  	s6 =	simm.s32 $_size__tile_overlayer_lowered;
	s7 =	simm.s32 $_tile_overlayer_lowered  }
0x9c: {  	s22 =	simm.s32 $0x1BFF;
	s21 =	sshll.u32 s7, $0x1;
	s4 =	sadd.s32 s5, s19  }
0x9d: {  	s8 =	simm.s32 $0x0;
	s20 =	sshll.u32 s6, $0x1;
	s6 =	sadd.s32 s21, s4  }
0x9e: {  	[timem:s8], [sflag:s22] =	dma.local [hbm:s6], s20  }
0x9f: {  	_ =	swait.ge [sflag:s22], s20  }
0xa0: {  	s5 =	ssub.s32 $0x0, s20;
	[sflag:s22] =	ssyncset.done $0x0  }
0xa1: {  	[sflag:s22] =	ssyncadd.s32 s5;
	_ =	sdelay $0x1  }
0xa2: {  	s23 =	simm.s32 $0x1B8B  }
0xa3: {  	_ =	swait.ge [sflag:s23], $0x1  }
0xa4: {  	[sflag:s23] =	ssyncset.done $0x0  }
0xa5: {  	s25 =	simm.s32 $0x1B8E;
	s24 =	sld [smem:$0x3FFE];
	[sflag:s23] =	ssyncadd.s32 $0xFFFFFFFF  }
0xa6: {  	s26 =	simm.s32 $execute0_lowered;
	[smem:$0x3FD2] =	sst s25  }
0xa7: {  	s6 =	sshll.u32 s26, $0x1;
	_ =	strace $0x80000046;
	[dreg:$0x1] =	wrdreg $0xFFFFFFFF  }
0xa8: {  	s28 =	simm.s32 $_size_execute0_lowered;
	s4 =	sadd.s32 s4, s6;
	[dreg:$0x0] =	wrdreg $0x0  }
0xa9: {  	s6 =	sshll.u32 s28, $0x1;
	[dreg:$0x2] =	wrdreg s4  }
0xaa: {  	[dreg:$0x3] =	wrdreg s6  }
0xab: {  	[dreg:$0x4] =	wrdreg $0xC0  }
0xac: {  	_ =	task [dreg:s8], $0x5FFFF  }
0xad: {  	[dreg:$0x1] =	wrdreg $0xFFFFFFFF  }
0xae: {  	[dreg:$0x0] =	wrdreg $0x60  }
0xaf: {  	[dreg:$0x2] =	wrdreg s24  }
0xb0: {  	[dreg:$0x3] =	wrdreg s2  }
0xb1: {  	[dreg:$0x4] =	wrdreg s18  }
0xb2: {  	[dreg:$0x5] =	wrdreg $0x0  }
0xb3: {  	[dreg:$0x6] =	wrdreg $0x9  }
0xb4: {  	_ =	task.clear_ibuf [dreg:s8], $0x7FFFF;
	_ =	strace $0x90000046  }
0xb5: {  	s29 =	simm.s32 $0x9;
	_ =	strace $0x80000048  }
0xb6: {  	_ =	swait.ge [sflag:s29], $0x1  }
0xb7: {  	[sflag:s29] =	ssyncadd.s32 $0xFFFFFFFF  }
0xb8: {  	_ =	strace $0x90000048  }
0xb9: {  	_ =	sfence  }
0xba: {  	s30 =	sld [smem:$0x0];
	_ =	sdelay $0x2  }
0xbb: {  	s31 =	sshll.u32 s1, $0xD;
	s1 =	sshrl.u32 s1, $0x2  }
0xbc: {  	s3 =	sand.u32 $0x4000, s31;
	s1 =	sadd.s32 s1, s30  }
0xbd: {  	s0 =	sor.u32 s3, s0;
	s1 =	sshll.u32 s1, $0x11  }
0xbe: {  	s0 =	sor.u32 s1, s0  }
0xbf: {  	s0 =	sadd.s32 $0x8F2B, s0  }
0xc0: {  	[sflag:s0] =	ssyncadd.remote.s32 $0x1  }
0xc1: {  	_ =	sfence.sel $0xFFFF  }
0xc2: {  	[dreg:$0x0] =	wrdreg $0xFFFFFFFF;
	(pc) =	sbr.abs _section_cstart, $3  }
0xc3: {  	[dreg:$0x1] =	wrdreg $0xFFFFFFFF  }
0xc4: {  	_ =	task.clear_ibuf [dreg:s8], $0x2FFFF;
	_ =	strace $0x9FFFFFFF  }
0xc5: {  	(tm) =	ssettm $0x7FFFFFFF  }
tec
execute0_lowered:
.L_overlay_start_1:
0x0: {  	(tag) =	ssettag $0x1  }
0x1: {  	s0 =	rddreg [dreg:$0x0]  }
0x2: {  	s1 =	rddreg [dreg:$0x1];
	s3 =	srdreg.scid  }
0x3: {  	s10 =	stileid.u32;
	s2 =	rddreg [dreg:$0x2];
	s22 =	simm.s32 $0x5  }
0x4: {  	s28 =	simm.s32 $0x1D8A0;
	s29 =	simm.s32 $0x2;
	s30 =	simm.s32 $0x4  }
0x5: {  	s31 =	simm.s32 $0x1E8A0;
	s5 =	sand.u32 $0x1, s3;
	s4 =	sshll.u32 s10, $0x1  }
0x6: {  	s3 =	rddreg [dreg:$0x3];
	s8 =	smul.u32 $0x3200, s10;
	s26 =	sshll.u32 s10, $0x6  }
0x7: {  	s6 =	sor.u32 s5, s4;
	s4 =	simm.s32 $0x0;
	s5 =	ssub.s32 $0x2, s5  }
0x8: {  	s20 =	sor.u32 $0x1C05, s26;
	s26 =	simm.s32 $0x3200;
	s7 =	smul.u32 $0x30D4, s6  }
0x9: {  	[smem:$0x7FF] =	sst s4;
	s23 =	sshrl.u32 s5, $0x1;
	s9 =	sshrl.u32 s8, $0x3  }
0xa: {  	s24 =	sadd.s32 s8, s3;
	s8 =	sadd.s32 $0x1000, s3;
	p0 =	sgt.u32 s6, $0x18  }
0xb: {  	_ =	strace $0x80000047;
	s1 =	sadd.s32 s1, s9;
	s21 =	sshrl.u32 s24, $0x3  }
0xc: {  	s24 =	simm.s32 $0x1B8A0;
	s0 =	sadd.s32 s7, s0;
	s7 =	ssub.s32 s5, s23  }
0xd: {  	s5 =	smul.u32 $0xC8000, s6;
	s11 =	sadd.s32 $0x6400, s1;
	[dreg:$0x6] =	wrdreg s1  }
0xe: {  	s25 =	sadd.s32 $0xC800, s1;
	s1 =	sadd.s32 $0x12C00, s1;
	[dreg:$0x7] =	wrdreg s11  }
0xf: {  	s23 =	simm.s32 $0x1;
	s0 =	sadd.s32 $0x400, s0;
	[dreg:$0x8] =	wrdreg s25  }
.Ltmp0:
0x10: {  	[dreg:$0x9] =	wrdreg s1;
	s7 =	smax.u32 s7, $0x1;
	(pc) =	sbr.rel .LBB2_1-.Ltmp0, $4  }
0x11: {  	s25 =	simm.s32 $0x1C8A0;
	s1 =	simm.s32 $0x3;
	[dreg:$0x5] =	wrdreg s0  }
0x12: {  	s9 =	sor.u32 $0x1000, s5;
	s12 =	sadd.s32 $0x32000, s5;
	s13 =	sadd.s32 $0x33000, s5  }
0x13: {  	s14 =	sadd.s32 $0x64000, s5;
	s15 =	sadd.s32 $0x65000, s5;
	s17 =	sadd.s32 $0x96000, s5  }
0x14: {  	s18 =	sadd.s32 $0x97000, s5;
	[dreg:$0xa] =	wrdreg s7;
	s0 =	simm.s32 $0x0  }
.LBB2_52:
0x15: {  	_ =	swait.ge [sflag:s1], $0x1000  }
0x16: {  	[sflag:s1] =	ssyncset.done $0x0  }
0x17: {  	[sflag:s1] =	ssyncadd.s32 $0xFFFFF000  }
0x18: {  	_ =	swait.ge [sflag:s30], $0x1000  }
0x19: {  	[sflag:s30] =	ssyncset.done $0x0  }
0x1a: {  	[sflag:s30] =	ssyncadd.s32 $0xFFFFF000  }
.LBB2_53:
0x1b: {  	s0 =	sadd.s32 $0x1, s0;
	s6 =	rddreg [dreg:$0xa]  }
0x1c: {  	p1 =	sne.s32 s0, s6  }
.Ltmp1:
0x1d: {  	_ = 	snop;
	(pc) =	sbr.rel @!p1 .LBB2_54-.Ltmp1, $2  }
0x1e: {  	_ =	sdelay $0x1  }
0x1f: {  	[bflag:$0x0] =	sbarrier.arrive $0xFFFF;
	_ =	sdelay $0x1  }
.LBB2_1:
0x20: {  	s6 =	simm.s32 @!p0 $0x0;
	s7 =	simm.s32 @!p0 $0x3200;
	s10 =	rddreg [dreg:$0x5]  }
0x21: {  	[tilespmem:s7], [sflag:$0x1] =	stream.linear.gather @!p0 [hbm4b:s10+s6], $0x186A0, $0x38;
	[tilespmem:$0x1F8A0] =	vst v63  }
.Ltmp2:
0x22: {  	s19 =	rddreg [dreg:$0x6];
	(pc) =	sbr.rel @p0 .LBB2_14-.Ltmp2, $4  }
0x23: {  	[spmem:s21], [sflag:s20] =	dma.local [hbm:s19], $0x640  }
0x24: {  	_ =	swait.ge [sflag:s22], $0x640  }
0x25: {  	[sflag:s22] =	ssyncset.done $0x0  }
0x26: {  	[sflag:s22] =	ssyncadd.s32 $0xFFFFF9C0  }
0x27: {  	_ =	swait.ge [sflag:s23], $0x186A0  }
0x28: {  	[sflag:s23] =	ssyncset.done $0x0  }
0x29: {  	[sflag:s23] =	ssyncadd.s32 $0xFFFE7960  }
0x2a: {  	[bflag:$0x0] =	sbarrier.arrive $0xFFFF  }
0x2b: {  	[tilespmem:s24], [sflag:$0x1] =	stream.linear.gather [spmem:s3], $0x1000, $0x38;
	[tilespmem:$0x1F8A0] =	vst v63  }
0x2c: {  	s6 =	simm.s32 $0x0  }
0x2d: {  	[tilespmem:s25], [sflag:$0x2] =	stream.linear.gather [spmem:s8], $0x1000, $0x38;
	[tilespmem:$0x1F8A0] =	vst v63  }
.LBB2_3:
0x2e: {  	_ =	swait.ge [sflag:s23], $0x1000  }
0x2f: {  	p1 =	seq.s32 s6, $0x0;
	[sflag:s23] =	ssyncset.done $0x0  }
0x30: {  	s7 =	simm.s32 @!p1 $0x3;
	[sflag:s23] =	ssyncadd.s32 $0xFFFFF000  }
0x31: {  	_ =	swait.ge @!p1 [sflag:s7], $0x1000  }
0x32: {  	[sflag:s7] =	ssyncset.done @!p1 $0x0  }
0x33: {  	s19 =	simm.s32 $0x1B920;
	[sflag:s7] =	ssyncadd.s32 @!p1 $0xFFFFF000  }
0x34: {  	v0 =	vld [tilespmem:s19+$0x70]  }
0x35: {  	v1 =	vld [tilespmem:s19+$0xFFFFFF90]  }
0x36: {  	v2 =	vld [tilespmem:s19+$0xFFFFFFA0]  }
0x37: {  	v3 =	vld [tilespmem:s19+$0xFFFFFFB0]  }
0x38: {  	v4 =	vld [tilespmem:s19+$0xFFFFFFC0]  }
0x39: {  	v5 =	vld [tilespmem:s19+$0xFFFFFFD0]  }
0x3a: {  	v6 =	vld [tilespmem:s19+$0xFFFFFFE0]  }
0x3b: {  	v7 =	vld [tilespmem:s19+$0xFFFFFFF0]  }
0x3c: {  	v8 =	vld [tilespmem:s19+$0x0]  }
0x3d: {  	v9 =	vld [tilespmem:s19+$0x10]  }
0x3e: {  	v10 =	vld [tilespmem:s19+$0x20]  }
0x3f: {  	v11 =	vld [tilespmem:s19+$0x30]  }
0x40: {  	v12 =	vld [tilespmem:s19+$0x40]  }
0x41: {  	v13 =	vld [tilespmem:s19+$0x50]  }
0x42: {  	v14 =	vld [tilespmem:s19+$0x60]  }
0x43: {  	v15 =	vld [tilespmem:s19+$0xFFFFFF80]  }
0x44: {  	v0 =	vld.idx.msk [tilespmem:v0+s26+$0x0], $0xffff  }
0x45: {  	v1 =	vld.idx.msk [tilespmem:v1+s26+$0x0], $0xffff  }
0x46: {  	v2 =	vld.idx.msk [tilespmem:v2+s26+$0x0], $0xffff  }
0x47: {  	v3 =	vld.idx.msk [tilespmem:v3+s26+$0x0], $0xffff  }
0x48: {  	v4 =	vld.idx.msk [tilespmem:v4+s26+$0x0], $0xffff  }
0x49: {  	s16 =	simm.s32 $0x1D920;
	v5 =	vld.idx.msk [tilespmem:v5+s26+$0x0], $0xffff  }
0x4a: {  	v6 =	vld.idx.msk [tilespmem:v6+s26+$0x0], $0xffff;
	[tilespmem:s16+$0x70] =	vst v0  }
0x4b: {  	v7 =	vld.idx.msk [tilespmem:v7+s26+$0x0], $0xffff;
	[tilespmem:s16+$0xFFFFFF90] =	vst v1  }
0x4c: {  	v15 =	vld.idx.msk [tilespmem:v15+s26+$0x0], $0xffff;
	[tilespmem:s16+$0xFFFFFFA0] =	vst v2  }
0x4d: {  	v8 =	vld.idx.msk [tilespmem:v8+s26+$0x0], $0xffff;
	[tilespmem:s16+$0xFFFFFFB0] =	vst v3  }
0x4e: {  	[tilespmem:s16+$0xFFFFFFC0] =	vst v4;
	v0 =	vld.idx.msk [tilespmem:v9+s26+$0x0], $0xffff  }
0x4f: {  	[tilespmem:s16+$0xFFFFFFD0] =	vst v5;
	v1 =	vld.idx.msk [tilespmem:v10+s26+$0x0], $0xffff  }
0x50: {  	[tilespmem:s16+$0xFFFFFFE0] =	vst v6;
	v2 =	vld.idx.msk [tilespmem:v11+s26+$0x0], $0xffff  }
0x51: {  	[tilespmem:s16+$0xFFFFFFF0] =	vst v7;
	v3 =	vld.idx.msk [tilespmem:v12+s26+$0x0], $0xffff  }
0x52: {  	[tilespmem:s16+$0xFFFFFF80] =	vst v15;
	v4 =	vld.idx.msk [tilespmem:v13+s26+$0x0], $0xffff  }
0x53: {  	s10 =	sshll.u32 s6, $0xF;
	s11 =	simm.s32 $0x0;
	s19 =	simm.s32 $0x1BA20;
	[tilespmem:s16+$0x0] =	vst v8;
	v5 =	vld.idx.msk [tilespmem:v14+s26+$0x0], $0xffff  }
.LBB2_4:
0x54: {  	v6 =	vld [tilespmem:s19+$0x70];
	s11 =	sadd.s32 $0x10, s11;
	[tilespmem:s16+$0x10] =	vst v0  }
0x55: {  	v0 =	vld [tilespmem:s19+$0xFFFFFF90];
	p2 =	slt.u32 s11, $0xF0;
	[tilespmem:s16+$0x20] =	vst v1  }
0x56: {  	v1 =	vld [tilespmem:s19+$0xFFFFFFA0];
	[tilespmem:s16+$0x30] =	vst v2  }
0x57: {  	v2 =	vld [tilespmem:s19+$0xFFFFFFB0];
	[tilespmem:s16+$0x40] =	vst v3  }
0x58: {  	v3 =	vld [tilespmem:s19+$0xFFFFFFC0];
	[tilespmem:s16+$0x50] =	vst v4  }
0x59: {  	v4 =	vld [tilespmem:s19+$0xFFFFFFD0];
	[tilespmem:s16+$0x60] =	vst v5  }
0x5a: {  	v5 =	vld [tilespmem:s19+$0xFFFFFFE0]  }
0x5b: {  	v7 =	vld [tilespmem:s19+$0xFFFFFFF0]  }
0x5c: {  	v6 =	vld.idx.msk [tilespmem:v6+s26+$0x0], $0xffff  }
0x5d: {  	v8 =	vld [tilespmem:s19+$0x0]  }
0x5e: {  	v9 =	vld [tilespmem:s19+$0x10]  }
0x5f: {  	v10 =	vld [tilespmem:s19+$0x20]  }
0x60: {  	v11 =	vld [tilespmem:s19+$0x30]  }
0x61: {  	s16 =	sadd.s32 $0x100, s16;
	v12 =	vld [tilespmem:s19+$0x40]  }
0x62: {  	v13 =	vld [tilespmem:s19+$0x50];
	[tilespmem:s16+$0x70] =	vst v6  }
0x63: {  	v6 =	vld [tilespmem:s19+$0x60]  }
0x64: {  	v14 =	vld [tilespmem:s19+$0xFFFFFF80]  }
0x65: {  	v0 =	vld.idx.msk [tilespmem:v0+s26+$0x0], $0xffff  }
0x66: {  	v1 =	vld.idx.msk [tilespmem:v1+s26+$0x0], $0xffff  }
0x67: {  	v2 =	vld.idx.msk [tilespmem:v2+s26+$0x0], $0xffff  }
0x68: {  	v3 =	vld.idx.msk [tilespmem:v3+s26+$0x0], $0xffff  }
0x69: {  	v4 =	vld.idx.msk [tilespmem:v4+s26+$0x0], $0xffff  }
0x6a: {  	v5 =	vld.idx.msk [tilespmem:v5+s26+$0x0], $0xffff  }
0x6b: {  	[tilespmem:s16+$0xFFFFFF90] =	vst v0;
	v7 =	vld.idx.msk [tilespmem:v7+s26+$0x0], $0xffff  }
0x6c: {  	v14 =	vld.idx.msk [tilespmem:v14+s26+$0x0], $0xffff;
	[tilespmem:s16+$0xFFFFFFA0] =	vst v1  }
0x6d: {  	[tilespmem:s16+$0xFFFFFFB0] =	vst v2;
	v8 =	vld.idx.msk [tilespmem:v8+s26+$0x0], $0xffff  }
0x6e: {  	[tilespmem:s16+$0xFFFFFFC0] =	vst v3;
	v0 =	vld.idx.msk [tilespmem:v9+s26+$0x0], $0xffff  }
.Ltmp3:
0x6f: {  	[tilespmem:s16+$0xFFFFFFD0] =	vst v4;
	v1 =	vld.idx.msk [tilespmem:v10+s26+$0x0], $0xffff;
	(pc) =	sbr.rel @p2 .LBB2_4-.Ltmp3, $4  }
0x70: {  	[tilespmem:s16+$0xFFFFFFE0] =	vst v5;
	v2 =	vld.idx.msk [tilespmem:v11+s26+$0x0], $0xffff  }
0x71: {  	[tilespmem:s16+$0xFFFFFFF0] =	vst v7;
	v3 =	vld.idx.msk [tilespmem:v12+s26+$0x0], $0xffff  }
0x72: {  	[tilespmem:s16+$0xFFFFFF80] =	vst v14;
	v4 =	vld.idx.msk [tilespmem:v13+s26+$0x0], $0xffff  }
0x73: {  	s19 =	sadd.s32 $0x100, s19;
	[tilespmem:s16+$0x0] =	vst v8;
	v5 =	vld.idx.msk [tilespmem:v6+s26+$0x0], $0xffff  }
0x74: {  	[tilespmem:s16+$0x10] =	vst v0  }
0x75: {  	[tilespmem:s16+$0x20] =	vst v1;
	p2 =	sne.s32 s6, $0x18  }
.Ltmp4:
0x76: {  	s11 =	sshll.u32 s6, $0xD;
	[tilespmem:s16+$0x30] =	vst v2;
	(pc) =	sbr.rel @p2 .LBB2_7-.Ltmp4, $4  }
0x77: {  	s7 =	sadd.s32 s5, s11;
	[tilespmem:s16+$0x40] =	vst v3  }
0x78: {  	s7 =	sshrl.u32 s7, $0x3;
	[tilespmem:s16+$0x50] =	vst v4  }
0x79: {  	s7 =	sadd.s32 s2, s7;
	[tilespmem:s16+$0x60] =	vst v5  }
0x7a: {  	[hbm4b:s7+s4] =	stream.linear.scatter [tilespmem:s28], [sflag:$0x3], $0x1000, $0x38;
	[tilespmem:$0x1F8A0] =	vst v63  }
.Ltmp5:
0x7b: {  	(pc) =	sbr.rel .LBB2_8-.Ltmp5, $4  }
0x7c: {  	_ = 	snop  }
0x7d: {  	_ =	swait.ge [sflag:s29], $0x1000  }
0x7e: {  	[sflag:s29] =	ssyncset.done $0x0  }
0x7f: {  	[sflag:s29] =	ssyncadd.s32 $0xFFFFF000  }
.LBB2_7:
0x80: {  	s7 =	sshrl.u32 s10, $0x2  }
0x81: {  	s7 =	sadd.s32 s7, s3  }
.Ltmp6:
0x82: {  	s7 =	sadd.s32 $0x2000, s7;
	(pc) =	sbr.rel @p1 .LBB2_9-.Ltmp6, $4  }
0x83: {  	[tilespmem:s24], [sflag:$0x1] =	stream.linear.gather [spmem:s7], $0x1000, $0x38;
	[tilespmem:$0x1F8A0] =	vst v63  }
0x84: {  	_ =	swait.ge [sflag:s29], $0x1000  }
0x85: {  	[sflag:s29] =	ssyncset.done $0x0  }
0x86: {  	[sflag:s29] =	ssyncadd.s32 $0xFFFFF000  }
.LBB2_8:
0x87: {  	_ =	swait.ge [sflag:s30], $0x1000  }
0x88: {  	[sflag:s30] =	ssyncset.done $0x0  }
0x89: {  	[sflag:s30] =	ssyncadd.s32 $0xFFFFF000  }
.LBB2_9:
0x8a: {  	s7 =	simm.s32 $0x1C990  }
0x8b: {  	v0 =	vld [tilespmem:s7+$0x0]  }
0x8c: {  	v1 =	vld [tilespmem:s7+$0xFFFFFF20]  }
0x8d: {  	v2 =	vld [tilespmem:s7+$0xFFFFFF30]  }
0x8e: {  	v3 =	vld [tilespmem:s7+$0xFFFFFF40]  }
0x8f: {  	v4 =	vld [tilespmem:s7+$0xFFFFFF50]  }
0x90: {  	v5 =	vld [tilespmem:s7+$0xFFFFFF60]  }
0x91: {  	v6 =	vld [tilespmem:s7+$0xFFFFFF70]  }
0x92: {  	v7 =	vld [tilespmem:s7+$0xFFFFFF80]  }
0x93: {  	v8 =	vld [tilespmem:s7+$0xFFFFFF90]  }
0x94: {  	v9 =	vld [tilespmem:s7+$0xFFFFFFA0]  }
0x95: {  	v10 =	vld [tilespmem:s7+$0xFFFFFFB0]  }
0x96: {  	v11 =	vld [tilespmem:s7+$0xFFFFFFC0]  }
0x97: {  	v12 =	vld [tilespmem:s7+$0xFFFFFFD0]  }
0x98: {  	v13 =	vld [tilespmem:s7+$0xFFFFFFE0]  }
0x99: {  	v14 =	vld [tilespmem:s7+$0xFFFFFFF0]  }
0x9a: {  	v15 =	vld [tilespmem:s7+$0xFFFFFF10]  }
0x9b: {  	v0 =	vld.idx.msk [tilespmem:v0+s26+$0x0], $0xffff  }
0x9c: {  	v1 =	vld.idx.msk [tilespmem:v1+s26+$0x0], $0xffff  }
0x9d: {  	v2 =	vld.idx.msk [tilespmem:v2+s26+$0x0], $0xffff  }
0x9e: {  	v3 =	vld.idx.msk [tilespmem:v3+s26+$0x0], $0xffff  }
0x9f: {  	v4 =	vld.idx.msk [tilespmem:v4+s26+$0x0], $0xffff  }
0xa0: {  	s16 =	simm.s32 $0x1E990;
	v5 =	vld.idx.msk [tilespmem:v5+s26+$0x0], $0xffff  }
0xa1: {  	v6 =	vld.idx.msk [tilespmem:v6+s26+$0x0], $0xffff;
	[tilespmem:s16+$0x0] =	vst v0  }
0xa2: {  	v7 =	vld.idx.msk [tilespmem:v7+s26+$0x0], $0xffff;
	[tilespmem:s16+$0xFFFFFF20] =	vst v1  }
0xa3: {  	v15 =	vld.idx.msk [tilespmem:v15+s26+$0x0], $0xffff;
	[tilespmem:s16+$0xFFFFFF30] =	vst v2  }
0xa4: {  	v8 =	vld.idx.msk [tilespmem:v8+s26+$0x0], $0xffff;
	[tilespmem:s16+$0xFFFFFF40] =	vst v3  }
0xa5: {  	[tilespmem:s16+$0xFFFFFF50] =	vst v4;
	v0 =	vld.idx.msk [tilespmem:v9+s26+$0x0], $0xffff  }
0xa6: {  	[tilespmem:s16+$0xFFFFFF60] =	vst v5;
	v1 =	vld.idx.msk [tilespmem:v10+s26+$0x0], $0xffff  }
0xa7: {  	[tilespmem:s16+$0xFFFFFF70] =	vst v6;
	v2 =	vld.idx.msk [tilespmem:v11+s26+$0x0], $0xffff  }
0xa8: {  	[tilespmem:s16+$0xFFFFFF80] =	vst v7;
	v3 =	vld.idx.msk [tilespmem:v12+s26+$0x0], $0xffff  }
0xa9: {  	[tilespmem:s16+$0xFFFFFF10] =	vst v15;
	v4 =	vld.idx.msk [tilespmem:v13+s26+$0x0], $0xffff  }
0xaa: {  	s19 =	simm.s32 $0x0;
	s7 =	simm.s32 $0x1CA90;
	[tilespmem:s16+$0xFFFFFF90] =	vst v8;
	v5 =	vld.idx.msk [tilespmem:v14+s26+$0x0], $0xffff  }
.LBB2_10:
0xab: {  	v6 =	vld [tilespmem:s7+$0x0];
	s19 =	sadd.s32 $0x10, s19;
	[tilespmem:s16+$0xFFFFFFA0] =	vst v0  }
0xac: {  	v0 =	vld [tilespmem:s7+$0xFFFFFF20];
	p1 =	slt.u32 s19, $0xF0;
	[tilespmem:s16+$0xFFFFFFB0] =	vst v1  }
0xad: {  	v1 =	vld [tilespmem:s7+$0xFFFFFF30];
	[tilespmem:s16+$0xFFFFFFC0] =	vst v2  }
0xae: {  	v2 =	vld [tilespmem:s7+$0xFFFFFF40];
	[tilespmem:s16+$0xFFFFFFD0] =	vst v3  }
0xaf: {  	v3 =	vld [tilespmem:s7+$0xFFFFFF50];
	[tilespmem:s16+$0xFFFFFFE0] =	vst v4  }
0xb0: {  	v4 =	vld [tilespmem:s7+$0xFFFFFF60];
	[tilespmem:s16+$0xFFFFFFF0] =	vst v5  }
0xb1: {  	v5 =	vld [tilespmem:s7+$0xFFFFFF70]  }
0xb2: {  	v7 =	vld [tilespmem:s7+$0xFFFFFF80]  }
0xb3: {  	v6 =	vld.idx.msk [tilespmem:v6+s26+$0x0], $0xffff  }
0xb4: {  	v8 =	vld [tilespmem:s7+$0xFFFFFF90]  }
0xb5: {  	v9 =	vld [tilespmem:s7+$0xFFFFFFA0]  }
0xb6: {  	v10 =	vld [tilespmem:s7+$0xFFFFFFB0]  }
0xb7: {  	v11 =	vld [tilespmem:s7+$0xFFFFFFC0]  }
0xb8: {  	s16 =	sadd.s32 $0x100, s16;
	v12 =	vld [tilespmem:s7+$0xFFFFFFD0]  }
0xb9: {  	v13 =	vld [tilespmem:s7+$0xFFFFFFE0];
	[tilespmem:s16+$0x0] =	vst v6  }
0xba: {  	v6 =	vld [tilespmem:s7+$0xFFFFFFF0]  }
0xbb: {  	v14 =	vld [tilespmem:s7+$0xFFFFFF10]  }
0xbc: {  	v0 =	vld.idx.msk [tilespmem:v0+s26+$0x0], $0xffff  }
0xbd: {  	v1 =	vld.idx.msk [tilespmem:v1+s26+$0x0], $0xffff  }
0xbe: {  	v2 =	vld.idx.msk [tilespmem:v2+s26+$0x0], $0xffff  }
0xbf: {  	v3 =	vld.idx.msk [tilespmem:v3+s26+$0x0], $0xffff  }
0xc0: {  	v4 =	vld.idx.msk [tilespmem:v4+s26+$0x0], $0xffff  }
0xc1: {  	v5 =	vld.idx.msk [tilespmem:v5+s26+$0x0], $0xffff  }
0xc2: {  	[tilespmem:s16+$0xFFFFFF20] =	vst v0;
	v7 =	vld.idx.msk [tilespmem:v7+s26+$0x0], $0xffff  }
0xc3: {  	v14 =	vld.idx.msk [tilespmem:v14+s26+$0x0], $0xffff;
	[tilespmem:s16+$0xFFFFFF30] =	vst v1  }
0xc4: {  	[tilespmem:s16+$0xFFFFFF40] =	vst v2;
	v8 =	vld.idx.msk [tilespmem:v8+s26+$0x0], $0xffff  }
0xc5: {  	[tilespmem:s16+$0xFFFFFF50] =	vst v3;
	v0 =	vld.idx.msk [tilespmem:v9+s26+$0x0], $0xffff  }
.Ltmp7:
0xc6: {  	[tilespmem:s16+$0xFFFFFF60] =	vst v4;
	v1 =	vld.idx.msk [tilespmem:v10+s26+$0x0], $0xffff;
	(pc) =	sbr.rel @p1 .LBB2_10-.Ltmp7, $4  }
0xc7: {  	[tilespmem:s16+$0xFFFFFF70] =	vst v5;
	v2 =	vld.idx.msk [tilespmem:v11+s26+$0x0], $0xffff  }
0xc8: {  	[tilespmem:s16+$0xFFFFFF80] =	vst v7;
	v3 =	vld.idx.msk [tilespmem:v12+s26+$0x0], $0xffff  }
0xc9: {  	[tilespmem:s16+$0xFFFFFF10] =	vst v14;
	v4 =	vld.idx.msk [tilespmem:v13+s26+$0x0], $0xffff  }
0xca: {  	s7 =	sadd.s32 $0x100, s7;
	[tilespmem:s16+$0xFFFFFF90] =	vst v8;
	v5 =	vld.idx.msk [tilespmem:v6+s26+$0x0], $0xffff  }
0xcb: {  	[tilespmem:s16+$0xFFFFFFA0] =	vst v0  }
0xcc: {  	[tilespmem:s16+$0xFFFFFFB0] =	vst v1;
	p1 =	seq.s32 s6, $0x18  }
.Ltmp8:
0xcd: {  	[tilespmem:s16+$0xFFFFFFC0] =	vst v2;
	(pc) =	sbr.rel @p1 .LBB2_13-.Ltmp8, $4  }
0xce: {  	s7 =	sadd.s32 s11, s9;
	[tilespmem:s16+$0xFFFFFFD0] =	vst v3  }
0xcf: {  	s7 =	sshrl.u32 s7, $0x3;
	[tilespmem:s16+$0xFFFFFFE0] =	vst v4  }
0xd0: {  	s7 =	sadd.s32 s2, s7;
	[tilespmem:s16+$0xFFFFFFF0] =	vst v5  }
0xd1: {  	[hbm4b:s7+s4] =	stream.linear.scatter [tilespmem:s31], [sflag:$0x4], $0x1000, $0x38;
	[tilespmem:$0x1F8A0] =	vst v63  }
.Ltmp9:
0xd2: {  	(pc) =	sbr.rel .LBB2_3-.Ltmp9, $4  }
0xd3: {  	s7 =	sshrl.u32 s10, $0x2  }
0xd4: {  	s7 =	sadd.s32 s7, s3  }
0xd5: {  	s6 =	sadd.s32 $0x1, s6;
	s7 =	sadd.s32 $0x3000, s7  }
0xd6: {  	[tilespmem:s25], [sflag:$0x2] =	stream.linear.gather [spmem:s7], $0x1000, $0x38;
	[tilespmem:$0x1F8A0] =	vst v63  }
.LBB2_14:
.Ltmp10:
0xd7: {  	(pc) =	sbr.rel .LBB2_15-.Ltmp10, $2  }
0xd8: {  	_ =	sdelay $0x1  }
0xd9: {  	[bflag:$0x0] =	sbarrier.arrive $0xFFFF;
	_ =	sdelay $0x1  }
.LBB2_13:
0xda: {  	_ =	swait.ge [sflag:s1], $0x1000  }
0xdb: {  	[sflag:s1] =	ssyncset.done $0x0  }
0xdc: {  	[sflag:s1] =	ssyncadd.s32 $0xFFFFF000  }
0xdd: {  	_ =	swait.ge [sflag:s30], $0x1000  }
0xde: {  	[sflag:s30] =	ssyncset.done $0x0  }
0xdf: {  	[sflag:s30] =	ssyncadd.s32 $0xFFFFF000  }
.LBB2_15:
0xe0: {  	[bflag:$0x0] =	sbarrier.arrive $0xFFFF  }
0xe1: {  	s6 =	rddreg [dreg:$0x7]  }
0xe2: {  	[spmem:s21], [sflag:s20] =	dma.local [hbm:s6], $0x640  }
.Ltmp11:
0xe3: {  	_ =	swait.ge [sflag:s22], $0x640;
	(pc) =	sbr.rel @p0 .LBB2_39-.Ltmp11, $3  }
0xe4: {  	[sflag:s22] =	ssyncset.done $0x0  }
0xe5: {  	[sflag:s22] =	ssyncadd.s32 $0xFFFFF9C0  }
0xe6: {  	[bflag:$0x0] =	sbarrier.arrive $0xFFFF;
	_ =	sdelay $0x1  }
0xe7: {  	[tilespmem:s24], [sflag:$0x1] =	stream.linear.gather [spmem:s3], $0x1000, $0x38;
	[tilespmem:$0x1F8A0] =	vst v63  }
0xe8: {  	s6 =	simm.s32 $0x0  }
0xe9: {  	[tilespmem:s25], [sflag:$0x2] =	stream.linear.gather [spmem:s8], $0x1000, $0x38;
	[tilespmem:$0x1F8A0] =	vst v63  }
.LBB2_17:
0xea: {  	_ =	swait.ge [sflag:s23], $0x1000  }
0xeb: {  	p1 =	seq.s32 s6, $0x0;
	[sflag:s23] =	ssyncset.done $0x0  }
0xec: {  	s7 =	simm.s32 @!p1 $0x3;
	[sflag:s23] =	ssyncadd.s32 $0xFFFFF000  }
0xed: {  	_ =	swait.ge @!p1 [sflag:s7], $0x1000  }
0xee: {  	[sflag:s7] =	ssyncset.done @!p1 $0x0  }
0xef: {  	s19 =	simm.s32 $0x1B920;
	[sflag:s7] =	ssyncadd.s32 @!p1 $0xFFFFF000  }
0xf0: {  	v0 =	vld [tilespmem:s19+$0x70]  }
0xf1: {  	v1 =	vld [tilespmem:s19+$0xFFFFFF90]  }
0xf2: {  	v2 =	vld [tilespmem:s19+$0xFFFFFFA0]  }
0xf3: {  	v3 =	vld [tilespmem:s19+$0xFFFFFFB0]  }
0xf4: {  	v4 =	vld [tilespmem:s19+$0xFFFFFFC0]  }
0xf5: {  	v5 =	vld [tilespmem:s19+$0xFFFFFFD0]  }
0xf6: {  	v6 =	vld [tilespmem:s19+$0xFFFFFFE0]  }
0xf7: {  	v7 =	vld [tilespmem:s19+$0xFFFFFFF0]  }
0xf8: {  	v8 =	vld [tilespmem:s19+$0x0]  }
0xf9: {  	v9 =	vld [tilespmem:s19+$0x10]  }
0xfa: {  	v10 =	vld [tilespmem:s19+$0x20]  }
0xfb: {  	v11 =	vld [tilespmem:s19+$0x30]  }
0xfc: {  	v12 =	vld [tilespmem:s19+$0x40]  }
0xfd: {  	v13 =	vld [tilespmem:s19+$0x50]  }
0xfe: {  	v14 =	vld [tilespmem:s19+$0x60]  }
0xff: {  	v15 =	vld [tilespmem:s19+$0xFFFFFF80]  }
0x100: {  	v0 =	vld.idx.msk [tilespmem:v0+s26+$0x0], $0xffff  }
0x101: {  	v1 =	vld.idx.msk [tilespmem:v1+s26+$0x0], $0xffff  }
0x102: {  	v2 =	vld.idx.msk [tilespmem:v2+s26+$0x0], $0xffff  }
0x103: {  	v3 =	vld.idx.msk [tilespmem:v3+s26+$0x0], $0xffff  }
0x104: {  	v4 =	vld.idx.msk [tilespmem:v4+s26+$0x0], $0xffff  }
0x105: {  	s16 =	simm.s32 $0x1D920;
	v5 =	vld.idx.msk [tilespmem:v5+s26+$0x0], $0xffff  }
0x106: {  	v6 =	vld.idx.msk [tilespmem:v6+s26+$0x0], $0xffff;
	[tilespmem:s16+$0x70] =	vst v0  }
0x107: {  	v7 =	vld.idx.msk [tilespmem:v7+s26+$0x0], $0xffff;
	[tilespmem:s16+$0xFFFFFF90] =	vst v1  }
0x108: {  	v15 =	vld.idx.msk [tilespmem:v15+s26+$0x0], $0xffff;
	[tilespmem:s16+$0xFFFFFFA0] =	vst v2  }
0x109: {  	v8 =	vld.idx.msk [tilespmem:v8+s26+$0x0], $0xffff;
	[tilespmem:s16+$0xFFFFFFB0] =	vst v3  }
0x10a: {  	[tilespmem:s16+$0xFFFFFFC0] =	vst v4;
	v0 =	vld.idx.msk [tilespmem:v9+s26+$0x0], $0xffff  }
0x10b: {  	[tilespmem:s16+$0xFFFFFFD0] =	vst v5;
	v1 =	vld.idx.msk [tilespmem:v10+s26+$0x0], $0xffff  }
0x10c: {  	[tilespmem:s16+$0xFFFFFFE0] =	vst v6;
	v2 =	vld.idx.msk [tilespmem:v11+s26+$0x0], $0xffff  }
0x10d: {  	[tilespmem:s16+$0xFFFFFFF0] =	vst v7;
	v3 =	vld.idx.msk [tilespmem:v12+s26+$0x0], $0xffff  }
0x10e: {  	s10 =	sshll.u32 s6, $0xF;
	[tilespmem:s16+$0xFFFFFF80] =	vst v15;
	v4 =	vld.idx.msk [tilespmem:v13+s26+$0x0], $0xffff  }
0x10f: {  	s11 =	sshll.u32 s6, $0xD;
	s7 =	simm.s32 $0x1BA20;
	s19 =	simm.s32 $0x0;
	[tilespmem:s16+$0x0] =	vst v8;
	v5 =	vld.idx.msk [tilespmem:v14+s26+$0x0], $0xffff  }
.LBB2_18:
0x110: {  	v6 =	vld [tilespmem:s7+$0x70];
	s19 =	sadd.s32 $0x10, s19;
	[tilespmem:s16+$0x10] =	vst v0  }
0x111: {  	v0 =	vld [tilespmem:s7+$0xFFFFFF90];
	p2 =	slt.u32 s19, $0xF0;
	[tilespmem:s16+$0x20] =	vst v1  }
0x112: {  	v1 =	vld [tilespmem:s7+$0xFFFFFFA0];
	[tilespmem:s16+$0x30] =	vst v2  }
0x113: {  	v2 =	vld [tilespmem:s7+$0xFFFFFFB0];
	[tilespmem:s16+$0x40] =	vst v3  }
0x114: {  	v3 =	vld [tilespmem:s7+$0xFFFFFFC0];
	[tilespmem:s16+$0x50] =	vst v4  }
0x115: {  	v4 =	vld [tilespmem:s7+$0xFFFFFFD0];
	[tilespmem:s16+$0x60] =	vst v5  }
0x116: {  	v5 =	vld [tilespmem:s7+$0xFFFFFFE0]  }
0x117: {  	v7 =	vld [tilespmem:s7+$0xFFFFFFF0]  }
0x118: {  	v6 =	vld.idx.msk [tilespmem:v6+s26+$0x0], $0xffff  }
0x119: {  	v8 =	vld [tilespmem:s7+$0x0]  }
0x11a: {  	v9 =	vld [tilespmem:s7+$0x10]  }
0x11b: {  	v10 =	vld [tilespmem:s7+$0x20]  }
0x11c: {  	v11 =	vld [tilespmem:s7+$0x30]  }
0x11d: {  	s16 =	sadd.s32 $0x100, s16;
	v12 =	vld [tilespmem:s7+$0x40]  }
0x11e: {  	v13 =	vld [tilespmem:s7+$0x50];
	[tilespmem:s16+$0x70] =	vst v6  }
0x11f: {  	v6 =	vld [tilespmem:s7+$0x60]  }
0x120: {  	v14 =	vld [tilespmem:s7+$0xFFFFFF80]  }
0x121: {  	v0 =	vld.idx.msk [tilespmem:v0+s26+$0x0], $0xffff  }
0x122: {  	v1 =	vld.idx.msk [tilespmem:v1+s26+$0x0], $0xffff  }
0x123: {  	v2 =	vld.idx.msk [tilespmem:v2+s26+$0x0], $0xffff  }
0x124: {  	v3 =	vld.idx.msk [tilespmem:v3+s26+$0x0], $0xffff  }
0x125: {  	v4 =	vld.idx.msk [tilespmem:v4+s26+$0x0], $0xffff  }
0x126: {  	v5 =	vld.idx.msk [tilespmem:v5+s26+$0x0], $0xffff  }
0x127: {  	[tilespmem:s16+$0xFFFFFF90] =	vst v0;
	v7 =	vld.idx.msk [tilespmem:v7+s26+$0x0], $0xffff  }
0x128: {  	v14 =	vld.idx.msk [tilespmem:v14+s26+$0x0], $0xffff;
	[tilespmem:s16+$0xFFFFFFA0] =	vst v1  }
0x129: {  	[tilespmem:s16+$0xFFFFFFB0] =	vst v2;
	v8 =	vld.idx.msk [tilespmem:v8+s26+$0x0], $0xffff  }
0x12a: {  	[tilespmem:s16+$0xFFFFFFC0] =	vst v3;
	v0 =	vld.idx.msk [tilespmem:v9+s26+$0x0], $0xffff  }
.Ltmp12:
0x12b: {  	[tilespmem:s16+$0xFFFFFFD0] =	vst v4;
	v1 =	vld.idx.msk [tilespmem:v10+s26+$0x0], $0xffff;
	(pc) =	sbr.rel @p2 .LBB2_18-.Ltmp12, $4  }
0x12c: {  	[tilespmem:s16+$0xFFFFFFE0] =	vst v5;
	v2 =	vld.idx.msk [tilespmem:v11+s26+$0x0], $0xffff  }
0x12d: {  	[tilespmem:s16+$0xFFFFFFF0] =	vst v7;
	v3 =	vld.idx.msk [tilespmem:v12+s26+$0x0], $0xffff  }
0x12e: {  	[tilespmem:s16+$0xFFFFFF80] =	vst v14;
	v4 =	vld.idx.msk [tilespmem:v13+s26+$0x0], $0xffff  }
0x12f: {  	s7 =	sadd.s32 $0x100, s7;
	[tilespmem:s16+$0x0] =	vst v8;
	v5 =	vld.idx.msk [tilespmem:v6+s26+$0x0], $0xffff  }
0x130: {  	[tilespmem:s16+$0x10] =	vst v0  }
0x131: {  	[tilespmem:s16+$0x20] =	vst v1;
	p2 =	sne.s32 s6, $0x18  }
.Ltmp13:
0x132: {  	[tilespmem:s16+$0x30] =	vst v2;
	(pc) =	sbr.rel @p2 .LBB2_21-.Ltmp13, $4  }
0x133: {  	s7 =	sadd.s32 s11, s12;
	[tilespmem:s16+$0x40] =	vst v3  }
0x134: {  	s7 =	sshrl.u32 s7, $0x3;
	[tilespmem:s16+$0x50] =	vst v4  }
0x135: {  	s7 =	sadd.s32 s2, s7;
	[tilespmem:s16+$0x60] =	vst v5  }
0x136: {  	[hbm4b:s7+s4] =	stream.linear.scatter [tilespmem:s28], [sflag:$0x3], $0x1000, $0x38;
	[tilespmem:$0x1F8A0] =	vst v63  }
.Ltmp14:
0x137: {  	(pc) =	sbr.rel .LBB2_22-.Ltmp14, $4  }
0x138: {  	_ = 	snop  }
0x139: {  	_ =	swait.ge [sflag:s29], $0x1000  }
0x13a: {  	[sflag:s29] =	ssyncset.done $0x0  }
0x13b: {  	[sflag:s29] =	ssyncadd.s32 $0xFFFFF000  }
.LBB2_21:
0x13c: {  	s7 =	sshrl.u32 s10, $0x2  }
0x13d: {  	s7 =	sadd.s32 s7, s3  }
.Ltmp15:
0x13e: {  	s7 =	sadd.s32 $0x2000, s7;
	(pc) =	sbr.rel @p1 .LBB2_23-.Ltmp15, $4  }
0x13f: {  	[tilespmem:s24], [sflag:$0x1] =	stream.linear.gather [spmem:s7], $0x1000, $0x38;
	[tilespmem:$0x1F8A0] =	vst v63  }
0x140: {  	_ =	swait.ge [sflag:s29], $0x1000  }
0x141: {  	[sflag:s29] =	ssyncset.done $0x0  }
0x142: {  	[sflag:s29] =	ssyncadd.s32 $0xFFFFF000  }
.LBB2_22:
0x143: {  	_ =	swait.ge [sflag:s30], $0x1000  }
0x144: {  	[sflag:s30] =	ssyncset.done $0x0  }
0x145: {  	[sflag:s30] =	ssyncadd.s32 $0xFFFFF000  }
.LBB2_23:
0x146: {  	s7 =	simm.s32 $0x1C990  }
0x147: {  	v0 =	vld [tilespmem:s7+$0x0]  }
0x148: {  	v1 =	vld [tilespmem:s7+$0xFFFFFF20]  }
0x149: {  	v2 =	vld [tilespmem:s7+$0xFFFFFF30]  }
0x14a: {  	v3 =	vld [tilespmem:s7+$0xFFFFFF40]  }
0x14b: {  	v4 =	vld [tilespmem:s7+$0xFFFFFF50]  }
0x14c: {  	v5 =	vld [tilespmem:s7+$0xFFFFFF60]  }
0x14d: {  	v6 =	vld [tilespmem:s7+$0xFFFFFF70]  }
0x14e: {  	v7 =	vld [tilespmem:s7+$0xFFFFFF80]  }
0x14f: {  	v8 =	vld [tilespmem:s7+$0xFFFFFF90]  }
0x150: {  	v9 =	vld [tilespmem:s7+$0xFFFFFFA0]  }
0x151: {  	v10 =	vld [tilespmem:s7+$0xFFFFFFB0]  }
0x152: {  	v11 =	vld [tilespmem:s7+$0xFFFFFFC0]  }
0x153: {  	v12 =	vld [tilespmem:s7+$0xFFFFFFD0]  }
0x154: {  	v13 =	vld [tilespmem:s7+$0xFFFFFFE0]  }
0x155: {  	v14 =	vld [tilespmem:s7+$0xFFFFFFF0]  }
0x156: {  	v15 =	vld [tilespmem:s7+$0xFFFFFF10]  }
0x157: {  	v0 =	vld.idx.msk [tilespmem:v0+s26+$0x0], $0xffff  }
0x158: {  	v1 =	vld.idx.msk [tilespmem:v1+s26+$0x0], $0xffff  }
0x159: {  	v2 =	vld.idx.msk [tilespmem:v2+s26+$0x0], $0xffff  }
0x15a: {  	v3 =	vld.idx.msk [tilespmem:v3+s26+$0x0], $0xffff  }
0x15b: {  	v4 =	vld.idx.msk [tilespmem:v4+s26+$0x0], $0xffff  }
0x15c: {  	s16 =	simm.s32 $0x1E990;
	v5 =	vld.idx.msk [tilespmem:v5+s26+$0x0], $0xffff  }
0x15d: {  	v6 =	vld.idx.msk [tilespmem:v6+s26+$0x0], $0xffff;
	[tilespmem:s16+$0x0] =	vst v0  }
0x15e: {  	v7 =	vld.idx.msk [tilespmem:v7+s26+$0x0], $0xffff;
	[tilespmem:s16+$0xFFFFFF20] =	vst v1  }
0x15f: {  	v15 =	vld.idx.msk [tilespmem:v15+s26+$0x0], $0xffff;
	[tilespmem:s16+$0xFFFFFF30] =	vst v2  }
0x160: {  	v8 =	vld.idx.msk [tilespmem:v8+s26+$0x0], $0xffff;
	[tilespmem:s16+$0xFFFFFF40] =	vst v3  }
0x161: {  	[tilespmem:s16+$0xFFFFFF50] =	vst v4;
	v0 =	vld.idx.msk [tilespmem:v9+s26+$0x0], $0xffff  }
0x162: {  	[tilespmem:s16+$0xFFFFFF60] =	vst v5;
	v1 =	vld.idx.msk [tilespmem:v10+s26+$0x0], $0xffff  }
0x163: {  	[tilespmem:s16+$0xFFFFFF70] =	vst v6;
	v2 =	vld.idx.msk [tilespmem:v11+s26+$0x0], $0xffff  }
0x164: {  	[tilespmem:s16+$0xFFFFFF80] =	vst v7;
	v3 =	vld.idx.msk [tilespmem:v12+s26+$0x0], $0xffff  }
0x165: {  	[tilespmem:s16+$0xFFFFFF10] =	vst v15;
	v4 =	vld.idx.msk [tilespmem:v13+s26+$0x0], $0xffff  }
0x166: {  	s19 =	simm.s32 $0x0;
	s7 =	simm.s32 $0x1CA90;
	[tilespmem:s16+$0xFFFFFF90] =	vst v8;
	v5 =	vld.idx.msk [tilespmem:v14+s26+$0x0], $0xffff  }
.LBB2_24:
0x167: {  	v6 =	vld [tilespmem:s7+$0x0];
	s19 =	sadd.s32 $0x10, s19;
	[tilespmem:s16+$0xFFFFFFA0] =	vst v0  }
0x168: {  	v0 =	vld [tilespmem:s7+$0xFFFFFF20];
	p1 =	slt.u32 s19, $0xF0;
	[tilespmem:s16+$0xFFFFFFB0] =	vst v1  }
0x169: {  	v1 =	vld [tilespmem:s7+$0xFFFFFF30];
	[tilespmem:s16+$0xFFFFFFC0] =	vst v2  }
0x16a: {  	v2 =	vld [tilespmem:s7+$0xFFFFFF40];
	[tilespmem:s16+$0xFFFFFFD0] =	vst v3  }
0x16b: {  	v3 =	vld [tilespmem:s7+$0xFFFFFF50];
	[tilespmem:s16+$0xFFFFFFE0] =	vst v4  }
0x16c: {  	v4 =	vld [tilespmem:s7+$0xFFFFFF60];
	[tilespmem:s16+$0xFFFFFFF0] =	vst v5  }
0x16d: {  	v5 =	vld [tilespmem:s7+$0xFFFFFF70]  }
0x16e: {  	v7 =	vld [tilespmem:s7+$0xFFFFFF80]  }
0x16f: {  	v6 =	vld.idx.msk [tilespmem:v6+s26+$0x0], $0xffff  }
0x170: {  	v8 =	vld [tilespmem:s7+$0xFFFFFF90]  }
0x171: {  	v9 =	vld [tilespmem:s7+$0xFFFFFFA0]  }
0x172: {  	v10 =	vld [tilespmem:s7+$0xFFFFFFB0]  }
0x173: {  	v11 =	vld [tilespmem:s7+$0xFFFFFFC0]  }
0x174: {  	s16 =	sadd.s32 $0x100, s16;
	v12 =	vld [tilespmem:s7+$0xFFFFFFD0]  }
0x175: {  	v13 =	vld [tilespmem:s7+$0xFFFFFFE0];
	[tilespmem:s16+$0x0] =	vst v6  }
0x176: {  	v6 =	vld [tilespmem:s7+$0xFFFFFFF0]  }
0x177: {  	v14 =	vld [tilespmem:s7+$0xFFFFFF10]  }
0x178: {  	v0 =	vld.idx.msk [tilespmem:v0+s26+$0x0], $0xffff  }
0x179: {  	v1 =	vld.idx.msk [tilespmem:v1+s26+$0x0], $0xffff  }
0x17a: {  	v2 =	vld.idx.msk [tilespmem:v2+s26+$0x0], $0xffff  }
0x17b: {  	v3 =	vld.idx.msk [tilespmem:v3+s26+$0x0], $0xffff  }
0x17c: {  	v4 =	vld.idx.msk [tilespmem:v4+s26+$0x0], $0xffff  }
0x17d: {  	v5 =	vld.idx.msk [tilespmem:v5+s26+$0x0], $0xffff  }
0x17e: {  	[tilespmem:s16+$0xFFFFFF20] =	vst v0;
	v7 =	vld.idx.msk [tilespmem:v7+s26+$0x0], $0xffff  }
0x17f: {  	v14 =	vld.idx.msk [tilespmem:v14+s26+$0x0], $0xffff;
	[tilespmem:s16+$0xFFFFFF30] =	vst v1  }
0x180: {  	[tilespmem:s16+$0xFFFFFF40] =	vst v2;
	v8 =	vld.idx.msk [tilespmem:v8+s26+$0x0], $0xffff  }
0x181: {  	[tilespmem:s16+$0xFFFFFF50] =	vst v3;
	v0 =	vld.idx.msk [tilespmem:v9+s26+$0x0], $0xffff  }
.Ltmp16:
0x182: {  	[tilespmem:s16+$0xFFFFFF60] =	vst v4;
	v1 =	vld.idx.msk [tilespmem:v10+s26+$0x0], $0xffff;
	(pc) =	sbr.rel @p1 .LBB2_24-.Ltmp16, $4  }
0x183: {  	[tilespmem:s16+$0xFFFFFF70] =	vst v5;
	v2 =	vld.idx.msk [tilespmem:v11+s26+$0x0], $0xffff  }
0x184: {  	[tilespmem:s16+$0xFFFFFF80] =	vst v7;
	v3 =	vld.idx.msk [tilespmem:v12+s26+$0x0], $0xffff  }
0x185: {  	[tilespmem:s16+$0xFFFFFF10] =	vst v14;
	v4 =	vld.idx.msk [tilespmem:v13+s26+$0x0], $0xffff  }
0x186: {  	s7 =	sadd.s32 $0x100, s7;
	[tilespmem:s16+$0xFFFFFF90] =	vst v8;
	v5 =	vld.idx.msk [tilespmem:v6+s26+$0x0], $0xffff  }
0x187: {  	[tilespmem:s16+$0xFFFFFFA0] =	vst v0  }
0x188: {  	[tilespmem:s16+$0xFFFFFFB0] =	vst v1;
	p1 =	seq.s32 s6, $0x18  }
.Ltmp17:
0x189: {  	[tilespmem:s16+$0xFFFFFFC0] =	vst v2;
	(pc) =	sbr.rel @p1 .LBB2_27-.Ltmp17, $4  }
0x18a: {  	s7 =	sadd.s32 s11, s13;
	[tilespmem:s16+$0xFFFFFFD0] =	vst v3  }
0x18b: {  	s7 =	sshrl.u32 s7, $0x3;
	[tilespmem:s16+$0xFFFFFFE0] =	vst v4  }
0x18c: {  	s7 =	sadd.s32 s2, s7;
	[tilespmem:s16+$0xFFFFFFF0] =	vst v5  }
0x18d: {  	[hbm4b:s7+s4] =	stream.linear.scatter [tilespmem:s31], [sflag:$0x4], $0x1000, $0x38;
	[tilespmem:$0x1F8A0] =	vst v63  }
.Ltmp18:
0x18e: {  	(pc) =	sbr.rel .LBB2_17-.Ltmp18, $4  }
0x18f: {  	s7 =	sshrl.u32 s10, $0x2  }
0x190: {  	s7 =	sadd.s32 s7, s3  }
0x191: {  	s6 =	sadd.s32 $0x1, s6;
	s7 =	sadd.s32 $0x3000, s7  }
0x192: {  	[tilespmem:s25], [sflag:$0x2] =	stream.linear.gather [spmem:s7], $0x1000, $0x38;
	[tilespmem:$0x1F8A0] =	vst v63  }
.LBB2_39:
0x193: {  	[bflag:$0x0] =	sbarrier.arrive $0xFFFF  }
0x194: {  	s6 =	rddreg [dreg:$0x8]  }
0x195: {  	[spmem:s21], [sflag:s20] =	dma.local [hbm:s6], $0x640  }
.Ltmp19:
0x196: {  	_ =	swait.ge [sflag:s22], $0x640;
	(pc) =	sbr.rel .LBB2_40-.Ltmp19, $3  }
0x197: {  	[sflag:s22] =	ssyncset.done $0x0  }
0x198: {  	[sflag:s22] =	ssyncadd.s32 $0xFFFFF9C0  }
0x199: {  	[bflag:$0x0] =	sbarrier.arrive $0xFFFF;
	_ =	sdelay $0x1  }
.LBB2_27:
0x19a: {  	_ =	swait.ge [sflag:s1], $0x1000  }
0x19b: {  	[sflag:s1] =	ssyncset.done $0x0  }
0x19c: {  	[sflag:s1] =	ssyncadd.s32 $0xFFFFF000  }
0x19d: {  	_ =	swait.ge [sflag:s30], $0x1000  }
0x19e: {  	[sflag:s30] =	ssyncset.done $0x0  }
0x19f: {  	[sflag:s30] =	ssyncadd.s32 $0xFFFFF000  }
0x1a0: {  	[bflag:$0x0] =	sbarrier.arrive $0xFFFF  }
0x1a1: {  	s6 =	rddreg [dreg:$0x8]  }
0x1a2: {  	[spmem:s21], [sflag:s20] =	dma.local [hbm:s6], $0x640  }
0x1a3: {  	_ =	swait.ge [sflag:s22], $0x640  }
0x1a4: {  	[sflag:s22] =	ssyncset.done $0x0  }
0x1a5: {  	[sflag:s22] =	ssyncadd.s32 $0xFFFFF9C0  }
0x1a6: {  	[bflag:$0x0] =	sbarrier.arrive $0xFFFF  }
0x1a7: {  	[tilespmem:s24], [sflag:$0x1] =	stream.linear.gather [spmem:s3], $0x1000, $0x38;
	[tilespmem:$0x1F8A0] =	vst v63  }
0x1a8: {  	s6 =	simm.s32 $0x0  }
0x1a9: {  	[tilespmem:s25], [sflag:$0x2] =	stream.linear.gather [spmem:s8], $0x1000, $0x38;
	[tilespmem:$0x1F8A0] =	vst v63  }
.LBB2_28:
0x1aa: {  	_ =	swait.ge [sflag:s23], $0x1000  }
0x1ab: {  	p1 =	seq.s32 s6, $0x0;
	[sflag:s23] =	ssyncset.done $0x0  }
0x1ac: {  	s7 =	simm.s32 @!p1 $0x3;
	[sflag:s23] =	ssyncadd.s32 $0xFFFFF000  }
0x1ad: {  	_ =	swait.ge @!p1 [sflag:s7], $0x1000  }
0x1ae: {  	[sflag:s7] =	ssyncset.done @!p1 $0x0  }
0x1af: {  	s19 =	simm.s32 $0x1B920;
	[sflag:s7] =	ssyncadd.s32 @!p1 $0xFFFFF000  }
0x1b0: {  	v0 =	vld [tilespmem:s19+$0x70]  }
0x1b1: {  	v1 =	vld [tilespmem:s19+$0xFFFFFF90]  }
0x1b2: {  	v2 =	vld [tilespmem:s19+$0xFFFFFFA0]  }
0x1b3: {  	v3 =	vld [tilespmem:s19+$0xFFFFFFB0]  }
0x1b4: {  	v4 =	vld [tilespmem:s19+$0xFFFFFFC0]  }
0x1b5: {  	v5 =	vld [tilespmem:s19+$0xFFFFFFD0]  }
0x1b6: {  	v6 =	vld [tilespmem:s19+$0xFFFFFFE0]  }
0x1b7: {  	v7 =	vld [tilespmem:s19+$0xFFFFFFF0]  }
0x1b8: {  	v8 =	vld [tilespmem:s19+$0x0]  }
0x1b9: {  	v9 =	vld [tilespmem:s19+$0x10]  }
0x1ba: {  	v10 =	vld [tilespmem:s19+$0x20]  }
0x1bb: {  	v11 =	vld [tilespmem:s19+$0x30]  }
0x1bc: {  	v12 =	vld [tilespmem:s19+$0x40]  }
0x1bd: {  	v13 =	vld [tilespmem:s19+$0x50]  }
0x1be: {  	v14 =	vld [tilespmem:s19+$0x60]  }
0x1bf: {  	v15 =	vld [tilespmem:s19+$0xFFFFFF80]  }
0x1c0: {  	v0 =	vld.idx.msk [tilespmem:v0+s26+$0x0], $0xffff  }
0x1c1: {  	v1 =	vld.idx.msk [tilespmem:v1+s26+$0x0], $0xffff  }
0x1c2: {  	v2 =	vld.idx.msk [tilespmem:v2+s26+$0x0], $0xffff  }
0x1c3: {  	v3 =	vld.idx.msk [tilespmem:v3+s26+$0x0], $0xffff  }
0x1c4: {  	v4 =	vld.idx.msk [tilespmem:v4+s26+$0x0], $0xffff  }
0x1c5: {  	s16 =	simm.s32 $0x1D920;
	v5 =	vld.idx.msk [tilespmem:v5+s26+$0x0], $0xffff  }
0x1c6: {  	v6 =	vld.idx.msk [tilespmem:v6+s26+$0x0], $0xffff;
	[tilespmem:s16+$0x70] =	vst v0  }
0x1c7: {  	v7 =	vld.idx.msk [tilespmem:v7+s26+$0x0], $0xffff;
	[tilespmem:s16+$0xFFFFFF90] =	vst v1  }
0x1c8: {  	v15 =	vld.idx.msk [tilespmem:v15+s26+$0x0], $0xffff;
	[tilespmem:s16+$0xFFFFFFA0] =	vst v2  }
0x1c9: {  	v8 =	vld.idx.msk [tilespmem:v8+s26+$0x0], $0xffff;
	[tilespmem:s16+$0xFFFFFFB0] =	vst v3  }
0x1ca: {  	[tilespmem:s16+$0xFFFFFFC0] =	vst v4;
	v0 =	vld.idx.msk [tilespmem:v9+s26+$0x0], $0xffff  }
0x1cb: {  	[tilespmem:s16+$0xFFFFFFD0] =	vst v5;
	v1 =	vld.idx.msk [tilespmem:v10+s26+$0x0], $0xffff  }
0x1cc: {  	[tilespmem:s16+$0xFFFFFFE0] =	vst v6;
	v2 =	vld.idx.msk [tilespmem:v11+s26+$0x0], $0xffff  }
0x1cd: {  	[tilespmem:s16+$0xFFFFFFF0] =	vst v7;
	v3 =	vld.idx.msk [tilespmem:v12+s26+$0x0], $0xffff  }
0x1ce: {  	s10 =	sshll.u32 s6, $0xF;
	[tilespmem:s16+$0xFFFFFF80] =	vst v15;
	v4 =	vld.idx.msk [tilespmem:v13+s26+$0x0], $0xffff  }
0x1cf: {  	s11 =	sshll.u32 s6, $0xD;
	s7 =	simm.s32 $0x1BA20;
	s19 =	simm.s32 $0x0;
	[tilespmem:s16+$0x0] =	vst v8;
	v5 =	vld.idx.msk [tilespmem:v14+s26+$0x0], $0xffff  }
.LBB2_29:
0x1d0: {  	v6 =	vld [tilespmem:s7+$0x70];
	s19 =	sadd.s32 $0x10, s19;
	[tilespmem:s16+$0x10] =	vst v0  }
0x1d1: {  	v0 =	vld [tilespmem:s7+$0xFFFFFF90];
	p2 =	slt.u32 s19, $0xF0;
	[tilespmem:s16+$0x20] =	vst v1  }
0x1d2: {  	v1 =	vld [tilespmem:s7+$0xFFFFFFA0];
	[tilespmem:s16+$0x30] =	vst v2  }
0x1d3: {  	v2 =	vld [tilespmem:s7+$0xFFFFFFB0];
	[tilespmem:s16+$0x40] =	vst v3  }
0x1d4: {  	v3 =	vld [tilespmem:s7+$0xFFFFFFC0];
	[tilespmem:s16+$0x50] =	vst v4  }
0x1d5: {  	v4 =	vld [tilespmem:s7+$0xFFFFFFD0];
	[tilespmem:s16+$0x60] =	vst v5  }
0x1d6: {  	v5 =	vld [tilespmem:s7+$0xFFFFFFE0]  }
0x1d7: {  	v7 =	vld [tilespmem:s7+$0xFFFFFFF0]  }
0x1d8: {  	v6 =	vld.idx.msk [tilespmem:v6+s26+$0x0], $0xffff  }
0x1d9: {  	v8 =	vld [tilespmem:s7+$0x0]  }
0x1da: {  	v9 =	vld [tilespmem:s7+$0x10]  }
0x1db: {  	v10 =	vld [tilespmem:s7+$0x20]  }
0x1dc: {  	v11 =	vld [tilespmem:s7+$0x30]  }
0x1dd: {  	s16 =	sadd.s32 $0x100, s16;
	v12 =	vld [tilespmem:s7+$0x40]  }
0x1de: {  	v13 =	vld [tilespmem:s7+$0x50];
	[tilespmem:s16+$0x70] =	vst v6  }
0x1df: {  	v6 =	vld [tilespmem:s7+$0x60]  }
0x1e0: {  	v14 =	vld [tilespmem:s7+$0xFFFFFF80]  }
0x1e1: {  	v0 =	vld.idx.msk [tilespmem:v0+s26+$0x0], $0xffff  }
0x1e2: {  	v1 =	vld.idx.msk [tilespmem:v1+s26+$0x0], $0xffff  }
0x1e3: {  	v2 =	vld.idx.msk [tilespmem:v2+s26+$0x0], $0xffff  }
0x1e4: {  	v3 =	vld.idx.msk [tilespmem:v3+s26+$0x0], $0xffff  }
0x1e5: {  	v4 =	vld.idx.msk [tilespmem:v4+s26+$0x0], $0xffff  }
0x1e6: {  	v5 =	vld.idx.msk [tilespmem:v5+s26+$0x0], $0xffff  }
0x1e7: {  	[tilespmem:s16+$0xFFFFFF90] =	vst v0;
	v7 =	vld.idx.msk [tilespmem:v7+s26+$0x0], $0xffff  }
0x1e8: {  	v14 =	vld.idx.msk [tilespmem:v14+s26+$0x0], $0xffff;
	[tilespmem:s16+$0xFFFFFFA0] =	vst v1  }
0x1e9: {  	[tilespmem:s16+$0xFFFFFFB0] =	vst v2;
	v8 =	vld.idx.msk [tilespmem:v8+s26+$0x0], $0xffff  }
0x1ea: {  	[tilespmem:s16+$0xFFFFFFC0] =	vst v3;
	v0 =	vld.idx.msk [tilespmem:v9+s26+$0x0], $0xffff  }
.Ltmp20:
0x1eb: {  	[tilespmem:s16+$0xFFFFFFD0] =	vst v4;
	v1 =	vld.idx.msk [tilespmem:v10+s26+$0x0], $0xffff;
	(pc) =	sbr.rel @p2 .LBB2_29-.Ltmp20, $4  }
0x1ec: {  	[tilespmem:s16+$0xFFFFFFE0] =	vst v5;
	v2 =	vld.idx.msk [tilespmem:v11+s26+$0x0], $0xffff  }
0x1ed: {  	[tilespmem:s16+$0xFFFFFFF0] =	vst v7;
	v3 =	vld.idx.msk [tilespmem:v12+s26+$0x0], $0xffff  }
0x1ee: {  	[tilespmem:s16+$0xFFFFFF80] =	vst v14;
	v4 =	vld.idx.msk [tilespmem:v13+s26+$0x0], $0xffff  }
0x1ef: {  	s7 =	sadd.s32 $0x100, s7;
	[tilespmem:s16+$0x0] =	vst v8;
	v5 =	vld.idx.msk [tilespmem:v6+s26+$0x0], $0xffff  }
0x1f0: {  	[tilespmem:s16+$0x10] =	vst v0  }
0x1f1: {  	[tilespmem:s16+$0x20] =	vst v1;
	p2 =	sne.s32 s6, $0x18  }
.Ltmp21:
0x1f2: {  	[tilespmem:s16+$0x30] =	vst v2;
	(pc) =	sbr.rel @p2 .LBB2_32-.Ltmp21, $4  }
0x1f3: {  	s7 =	sadd.s32 s11, s14;
	[tilespmem:s16+$0x40] =	vst v3  }
0x1f4: {  	s7 =	sshrl.u32 s7, $0x3;
	[tilespmem:s16+$0x50] =	vst v4  }
0x1f5: {  	s7 =	sadd.s32 s2, s7;
	[tilespmem:s16+$0x60] =	vst v5  }
0x1f6: {  	[hbm4b:s7+s4] =	stream.linear.scatter [tilespmem:s28], [sflag:$0x3], $0x1000, $0x38;
	[tilespmem:$0x1F8A0] =	vst v63  }
.Ltmp22:
0x1f7: {  	(pc) =	sbr.rel .LBB2_33-.Ltmp22, $4  }
0x1f8: {  	_ = 	snop  }
0x1f9: {  	_ =	swait.ge [sflag:s29], $0x1000  }
0x1fa: {  	[sflag:s29] =	ssyncset.done $0x0  }
0x1fb: {  	[sflag:s29] =	ssyncadd.s32 $0xFFFFF000  }
.LBB2_32:
0x1fc: {  	s7 =	sshrl.u32 s10, $0x2  }
0x1fd: {  	s7 =	sadd.s32 s7, s3  }
.Ltmp23:
0x1fe: {  	s7 =	sadd.s32 $0x2000, s7;
	(pc) =	sbr.rel @p1 .LBB2_34-.Ltmp23, $4  }
0x1ff: {  	[tilespmem:s24], [sflag:$0x1] =	stream.linear.gather [spmem:s7], $0x1000, $0x38;
	[tilespmem:$0x1F8A0] =	vst v63  }
0x200: {  	_ =	swait.ge [sflag:s29], $0x1000  }
0x201: {  	[sflag:s29] =	ssyncset.done $0x0  }
0x202: {  	[sflag:s29] =	ssyncadd.s32 $0xFFFFF000  }
.LBB2_33:
0x203: {  	_ =	swait.ge [sflag:s30], $0x1000  }
0x204: {  	[sflag:s30] =	ssyncset.done $0x0  }
0x205: {  	[sflag:s30] =	ssyncadd.s32 $0xFFFFF000  }
.LBB2_34:
0x206: {  	s7 =	simm.s32 $0x1C990  }
0x207: {  	v0 =	vld [tilespmem:s7+$0x0]  }
0x208: {  	v1 =	vld [tilespmem:s7+$0xFFFFFF20]  }
0x209: {  	v2 =	vld [tilespmem:s7+$0xFFFFFF30]  }
0x20a: {  	v3 =	vld [tilespmem:s7+$0xFFFFFF40]  }
0x20b: {  	v4 =	vld [tilespmem:s7+$0xFFFFFF50]  }
0x20c: {  	v5 =	vld [tilespmem:s7+$0xFFFFFF60]  }
0x20d: {  	v6 =	vld [tilespmem:s7+$0xFFFFFF70]  }
0x20e: {  	v7 =	vld [tilespmem:s7+$0xFFFFFF80]  }
0x20f: {  	v8 =	vld [tilespmem:s7+$0xFFFFFF90]  }
0x210: {  	v9 =	vld [tilespmem:s7+$0xFFFFFFA0]  }
0x211: {  	v10 =	vld [tilespmem:s7+$0xFFFFFFB0]  }
0x212: {  	v11 =	vld [tilespmem:s7+$0xFFFFFFC0]  }
0x213: {  	v12 =	vld [tilespmem:s7+$0xFFFFFFD0]  }
0x214: {  	v13 =	vld [tilespmem:s7+$0xFFFFFFE0]  }
0x215: {  	v14 =	vld [tilespmem:s7+$0xFFFFFFF0]  }
0x216: {  	v15 =	vld [tilespmem:s7+$0xFFFFFF10]  }
0x217: {  	v0 =	vld.idx.msk [tilespmem:v0+s26+$0x0], $0xffff  }
0x218: {  	v1 =	vld.idx.msk [tilespmem:v1+s26+$0x0], $0xffff  }
0x219: {  	v2 =	vld.idx.msk [tilespmem:v2+s26+$0x0], $0xffff  }
0x21a: {  	v3 =	vld.idx.msk [tilespmem:v3+s26+$0x0], $0xffff  }
0x21b: {  	v4 =	vld.idx.msk [tilespmem:v4+s26+$0x0], $0xffff  }
0x21c: {  	s16 =	simm.s32 $0x1E990;
	v5 =	vld.idx.msk [tilespmem:v5+s26+$0x0], $0xffff  }
0x21d: {  	v6 =	vld.idx.msk [tilespmem:v6+s26+$0x0], $0xffff;
	[tilespmem:s16+$0x0] =	vst v0  }
0x21e: {  	v7 =	vld.idx.msk [tilespmem:v7+s26+$0x0], $0xffff;
	[tilespmem:s16+$0xFFFFFF20] =	vst v1  }
0x21f: {  	v15 =	vld.idx.msk [tilespmem:v15+s26+$0x0], $0xffff;
	[tilespmem:s16+$0xFFFFFF30] =	vst v2  }
0x220: {  	v8 =	vld.idx.msk [tilespmem:v8+s26+$0x0], $0xffff;
	[tilespmem:s16+$0xFFFFFF40] =	vst v3  }
0x221: {  	[tilespmem:s16+$0xFFFFFF50] =	vst v4;
	v0 =	vld.idx.msk [tilespmem:v9+s26+$0x0], $0xffff  }
0x222: {  	[tilespmem:s16+$0xFFFFFF60] =	vst v5;
	v1 =	vld.idx.msk [tilespmem:v10+s26+$0x0], $0xffff  }
0x223: {  	[tilespmem:s16+$0xFFFFFF70] =	vst v6;
	v2 =	vld.idx.msk [tilespmem:v11+s26+$0x0], $0xffff  }
0x224: {  	[tilespmem:s16+$0xFFFFFF80] =	vst v7;
	v3 =	vld.idx.msk [tilespmem:v12+s26+$0x0], $0xffff  }
0x225: {  	[tilespmem:s16+$0xFFFFFF10] =	vst v15;
	v4 =	vld.idx.msk [tilespmem:v13+s26+$0x0], $0xffff  }
0x226: {  	s19 =	simm.s32 $0x0;
	s7 =	simm.s32 $0x1CA90;
	[tilespmem:s16+$0xFFFFFF90] =	vst v8;
	v5 =	vld.idx.msk [tilespmem:v14+s26+$0x0], $0xffff  }
.LBB2_35:
0x227: {  	v6 =	vld [tilespmem:s7+$0x0];
	s19 =	sadd.s32 $0x10, s19;
	[tilespmem:s16+$0xFFFFFFA0] =	vst v0  }
0x228: {  	v0 =	vld [tilespmem:s7+$0xFFFFFF20];
	p1 =	slt.u32 s19, $0xF0;
	[tilespmem:s16+$0xFFFFFFB0] =	vst v1  }
0x229: {  	v1 =	vld [tilespmem:s7+$0xFFFFFF30];
	[tilespmem:s16+$0xFFFFFFC0] =	vst v2  }
0x22a: {  	v2 =	vld [tilespmem:s7+$0xFFFFFF40];
	[tilespmem:s16+$0xFFFFFFD0] =	vst v3  }
0x22b: {  	v3 =	vld [tilespmem:s7+$0xFFFFFF50];
	[tilespmem:s16+$0xFFFFFFE0] =	vst v4  }
0x22c: {  	v4 =	vld [tilespmem:s7+$0xFFFFFF60];
	[tilespmem:s16+$0xFFFFFFF0] =	vst v5  }
0x22d: {  	v5 =	vld [tilespmem:s7+$0xFFFFFF70]  }
0x22e: {  	v7 =	vld [tilespmem:s7+$0xFFFFFF80]  }
0x22f: {  	v6 =	vld.idx.msk [tilespmem:v6+s26+$0x0], $0xffff  }
0x230: {  	v8 =	vld [tilespmem:s7+$0xFFFFFF90]  }
0x231: {  	v9 =	vld [tilespmem:s7+$0xFFFFFFA0]  }
0x232: {  	v10 =	vld [tilespmem:s7+$0xFFFFFFB0]  }
0x233: {  	v11 =	vld [tilespmem:s7+$0xFFFFFFC0]  }
0x234: {  	s16 =	sadd.s32 $0x100, s16;
	v12 =	vld [tilespmem:s7+$0xFFFFFFD0]  }
0x235: {  	v13 =	vld [tilespmem:s7+$0xFFFFFFE0];
	[tilespmem:s16+$0x0] =	vst v6  }
0x236: {  	v6 =	vld [tilespmem:s7+$0xFFFFFFF0]  }
0x237: {  	v14 =	vld [tilespmem:s7+$0xFFFFFF10]  }
0x238: {  	v0 =	vld.idx.msk [tilespmem:v0+s26+$0x0], $0xffff  }
0x239: {  	v1 =	vld.idx.msk [tilespmem:v1+s26+$0x0], $0xffff  }
0x23a: {  	v2 =	vld.idx.msk [tilespmem:v2+s26+$0x0], $0xffff  }
0x23b: {  	v3 =	vld.idx.msk [tilespmem:v3+s26+$0x0], $0xffff  }
0x23c: {  	v4 =	vld.idx.msk [tilespmem:v4+s26+$0x0], $0xffff  }
0x23d: {  	v5 =	vld.idx.msk [tilespmem:v5+s26+$0x0], $0xffff  }
0x23e: {  	[tilespmem:s16+$0xFFFFFF20] =	vst v0;
	v7 =	vld.idx.msk [tilespmem:v7+s26+$0x0], $0xffff  }
0x23f: {  	v14 =	vld.idx.msk [tilespmem:v14+s26+$0x0], $0xffff;
	[tilespmem:s16+$0xFFFFFF30] =	vst v1  }
0x240: {  	[tilespmem:s16+$0xFFFFFF40] =	vst v2;
	v8 =	vld.idx.msk [tilespmem:v8+s26+$0x0], $0xffff  }
0x241: {  	[tilespmem:s16+$0xFFFFFF50] =	vst v3;
	v0 =	vld.idx.msk [tilespmem:v9+s26+$0x0], $0xffff  }
.Ltmp24:
0x242: {  	[tilespmem:s16+$0xFFFFFF60] =	vst v4;
	v1 =	vld.idx.msk [tilespmem:v10+s26+$0x0], $0xffff;
	(pc) =	sbr.rel @p1 .LBB2_35-.Ltmp24, $4  }
0x243: {  	[tilespmem:s16+$0xFFFFFF70] =	vst v5;
	v2 =	vld.idx.msk [tilespmem:v11+s26+$0x0], $0xffff  }
0x244: {  	[tilespmem:s16+$0xFFFFFF80] =	vst v7;
	v3 =	vld.idx.msk [tilespmem:v12+s26+$0x0], $0xffff  }
0x245: {  	[tilespmem:s16+$0xFFFFFF10] =	vst v14;
	v4 =	vld.idx.msk [tilespmem:v13+s26+$0x0], $0xffff  }
0x246: {  	s7 =	sadd.s32 $0x100, s7;
	[tilespmem:s16+$0xFFFFFF90] =	vst v8;
	v5 =	vld.idx.msk [tilespmem:v6+s26+$0x0], $0xffff  }
0x247: {  	[tilespmem:s16+$0xFFFFFFA0] =	vst v0  }
0x248: {  	[tilespmem:s16+$0xFFFFFFB0] =	vst v1;
	p1 =	seq.s32 s6, $0x18  }
.Ltmp25:
0x249: {  	[tilespmem:s16+$0xFFFFFFC0] =	vst v2;
	(pc) =	sbr.rel @p1 .LBB2_38-.Ltmp25, $4  }
0x24a: {  	s7 =	sadd.s32 s11, s15;
	[tilespmem:s16+$0xFFFFFFD0] =	vst v3  }
0x24b: {  	s7 =	sshrl.u32 s7, $0x3;
	[tilespmem:s16+$0xFFFFFFE0] =	vst v4  }
0x24c: {  	s7 =	sadd.s32 s2, s7;
	[tilespmem:s16+$0xFFFFFFF0] =	vst v5  }
0x24d: {  	[hbm4b:s7+s4] =	stream.linear.scatter [tilespmem:s31], [sflag:$0x4], $0x1000, $0x38;
	[tilespmem:$0x1F8A0] =	vst v63  }
.Ltmp26:
0x24e: {  	(pc) =	sbr.rel .LBB2_28-.Ltmp26, $4  }
0x24f: {  	s7 =	sshrl.u32 s10, $0x2  }
0x250: {  	s7 =	sadd.s32 s7, s3  }
0x251: {  	s6 =	sadd.s32 $0x1, s6;
	s7 =	sadd.s32 $0x3000, s7  }
0x252: {  	[tilespmem:s25], [sflag:$0x2] =	stream.linear.gather [spmem:s7], $0x1000, $0x38;
	[tilespmem:$0x1F8A0] =	vst v63  }
.LBB2_38:
0x253: {  	_ =	swait.ge [sflag:s1], $0x1000  }
0x254: {  	[sflag:s1] =	ssyncset.done $0x0  }
0x255: {  	[sflag:s1] =	ssyncadd.s32 $0xFFFFF000  }
0x256: {  	_ =	swait.ge [sflag:s30], $0x1000  }
0x257: {  	[sflag:s30] =	ssyncset.done $0x0  }
0x258: {  	[sflag:s30] =	ssyncadd.s32 $0xFFFFF000  }
.LBB2_40:
0x259: {  	[bflag:$0x0] =	sbarrier.arrive $0xFFFF  }
0x25a: {  	s6 =	rddreg [dreg:$0x9]  }
0x25b: {  	[spmem:s21], [sflag:s20] =	dma.local [hbm:s6], $0x640  }
.Ltmp27:
0x25c: {  	_ =	swait.ge [sflag:s22], $0x640;
	(pc) =	sbr.rel @p0 .LBB2_53-.Ltmp27, $3  }
0x25d: {  	[sflag:s22] =	ssyncset.done $0x0  }
0x25e: {  	[sflag:s22] =	ssyncadd.s32 $0xFFFFF9C0  }
0x25f: {  	[bflag:$0x0] =	sbarrier.arrive $0xFFFF;
	_ =	sdelay $0x1  }
0x260: {  	[tilespmem:s24], [sflag:$0x1] =	stream.linear.gather [spmem:s3], $0x1000, $0x38;
	[tilespmem:$0x1F8A0] =	vst v63  }
0x261: {  	s6 =	simm.s32 $0x0  }
0x262: {  	[tilespmem:s25], [sflag:$0x2] =	stream.linear.gather [spmem:s8], $0x1000, $0x38;
	[tilespmem:$0x1F8A0] =	vst v63  }
.LBB2_42:
0x263: {  	_ =	swait.ge [sflag:s23], $0x1000  }
0x264: {  	p1 =	seq.s32 s6, $0x0;
	[sflag:s23] =	ssyncset.done $0x0  }
0x265: {  	s7 =	simm.s32 @!p1 $0x3;
	[sflag:s23] =	ssyncadd.s32 $0xFFFFF000  }
0x266: {  	_ =	swait.ge @!p1 [sflag:s7], $0x1000  }
0x267: {  	[sflag:s7] =	ssyncset.done @!p1 $0x0  }
0x268: {  	s19 =	simm.s32 $0x1B920;
	[sflag:s7] =	ssyncadd.s32 @!p1 $0xFFFFF000  }
0x269: {  	v0 =	vld [tilespmem:s19+$0x70]  }
0x26a: {  	v1 =	vld [tilespmem:s19+$0xFFFFFF90]  }
0x26b: {  	v2 =	vld [tilespmem:s19+$0xFFFFFFA0]  }
0x26c: {  	v3 =	vld [tilespmem:s19+$0xFFFFFFB0]  }
0x26d: {  	v4 =	vld [tilespmem:s19+$0xFFFFFFC0]  }
0x26e: {  	v5 =	vld [tilespmem:s19+$0xFFFFFFD0]  }
0x26f: {  	v6 =	vld [tilespmem:s19+$0xFFFFFFE0]  }
0x270: {  	v7 =	vld [tilespmem:s19+$0xFFFFFFF0]  }
0x271: {  	v8 =	vld [tilespmem:s19+$0x0]  }
0x272: {  	v9 =	vld [tilespmem:s19+$0x10]  }
0x273: {  	v10 =	vld [tilespmem:s19+$0x20]  }
0x274: {  	v11 =	vld [tilespmem:s19+$0x30]  }
0x275: {  	v12 =	vld [tilespmem:s19+$0x40]  }
0x276: {  	v13 =	vld [tilespmem:s19+$0x50]  }
0x277: {  	v14 =	vld [tilespmem:s19+$0x60]  }
0x278: {  	v15 =	vld [tilespmem:s19+$0xFFFFFF80]  }
0x279: {  	v0 =	vld.idx.msk [tilespmem:v0+s26+$0x0], $0xffff  }
0x27a: {  	v1 =	vld.idx.msk [tilespmem:v1+s26+$0x0], $0xffff  }
0x27b: {  	v2 =	vld.idx.msk [tilespmem:v2+s26+$0x0], $0xffff  }
0x27c: {  	v3 =	vld.idx.msk [tilespmem:v3+s26+$0x0], $0xffff  }
0x27d: {  	v4 =	vld.idx.msk [tilespmem:v4+s26+$0x0], $0xffff  }
0x27e: {  	s16 =	simm.s32 $0x1D920;
	v5 =	vld.idx.msk [tilespmem:v5+s26+$0x0], $0xffff  }
0x27f: {  	v6 =	vld.idx.msk [tilespmem:v6+s26+$0x0], $0xffff;
	[tilespmem:s16+$0x70] =	vst v0  }
0x280: {  	v7 =	vld.idx.msk [tilespmem:v7+s26+$0x0], $0xffff;
	[tilespmem:s16+$0xFFFFFF90] =	vst v1  }
0x281: {  	v15 =	vld.idx.msk [tilespmem:v15+s26+$0x0], $0xffff;
	[tilespmem:s16+$0xFFFFFFA0] =	vst v2  }
0x282: {  	v8 =	vld.idx.msk [tilespmem:v8+s26+$0x0], $0xffff;
	[tilespmem:s16+$0xFFFFFFB0] =	vst v3  }
0x283: {  	[tilespmem:s16+$0xFFFFFFC0] =	vst v4;
	v0 =	vld.idx.msk [tilespmem:v9+s26+$0x0], $0xffff  }
0x284: {  	[tilespmem:s16+$0xFFFFFFD0] =	vst v5;
	v1 =	vld.idx.msk [tilespmem:v10+s26+$0x0], $0xffff  }
0x285: {  	[tilespmem:s16+$0xFFFFFFE0] =	vst v6;
	v2 =	vld.idx.msk [tilespmem:v11+s26+$0x0], $0xffff  }
0x286: {  	[tilespmem:s16+$0xFFFFFFF0] =	vst v7;
	v3 =	vld.idx.msk [tilespmem:v12+s26+$0x0], $0xffff  }
0x287: {  	s10 =	sshll.u32 s6, $0xF;
	[tilespmem:s16+$0xFFFFFF80] =	vst v15;
	v4 =	vld.idx.msk [tilespmem:v13+s26+$0x0], $0xffff  }
0x288: {  	s11 =	sshll.u32 s6, $0xD;
	s7 =	simm.s32 $0x1BA20;
	s19 =	simm.s32 $0x0;
	[tilespmem:s16+$0x0] =	vst v8;
	v5 =	vld.idx.msk [tilespmem:v14+s26+$0x0], $0xffff  }
.LBB2_43:
0x289: {  	v6 =	vld [tilespmem:s7+$0x70];
	s19 =	sadd.s32 $0x10, s19;
	[tilespmem:s16+$0x10] =	vst v0  }
0x28a: {  	v0 =	vld [tilespmem:s7+$0xFFFFFF90];
	p2 =	slt.u32 s19, $0xF0;
	[tilespmem:s16+$0x20] =	vst v1  }
0x28b: {  	v1 =	vld [tilespmem:s7+$0xFFFFFFA0];
	[tilespmem:s16+$0x30] =	vst v2  }
0x28c: {  	v2 =	vld [tilespmem:s7+$0xFFFFFFB0];
	[tilespmem:s16+$0x40] =	vst v3  }
0x28d: {  	v3 =	vld [tilespmem:s7+$0xFFFFFFC0];
	[tilespmem:s16+$0x50] =	vst v4  }
0x28e: {  	v4 =	vld [tilespmem:s7+$0xFFFFFFD0];
	[tilespmem:s16+$0x60] =	vst v5  }
0x28f: {  	v5 =	vld [tilespmem:s7+$0xFFFFFFE0]  }
0x290: {  	v7 =	vld [tilespmem:s7+$0xFFFFFFF0]  }
0x291: {  	v6 =	vld.idx.msk [tilespmem:v6+s26+$0x0], $0xffff  }
0x292: {  	v8 =	vld [tilespmem:s7+$0x0]  }
0x293: {  	v9 =	vld [tilespmem:s7+$0x10]  }
0x294: {  	v10 =	vld [tilespmem:s7+$0x20]  }
0x295: {  	v11 =	vld [tilespmem:s7+$0x30]  }
0x296: {  	s16 =	sadd.s32 $0x100, s16;
	v12 =	vld [tilespmem:s7+$0x40]  }
0x297: {  	v13 =	vld [tilespmem:s7+$0x50];
	[tilespmem:s16+$0x70] =	vst v6  }
0x298: {  	v6 =	vld [tilespmem:s7+$0x60]  }
0x299: {  	v14 =	vld [tilespmem:s7+$0xFFFFFF80]  }
0x29a: {  	v0 =	vld.idx.msk [tilespmem:v0+s26+$0x0], $0xffff  }
0x29b: {  	v1 =	vld.idx.msk [tilespmem:v1+s26+$0x0], $0xffff  }
0x29c: {  	v2 =	vld.idx.msk [tilespmem:v2+s26+$0x0], $0xffff  }
0x29d: {  	v3 =	vld.idx.msk [tilespmem:v3+s26+$0x0], $0xffff  }
0x29e: {  	v4 =	vld.idx.msk [tilespmem:v4+s26+$0x0], $0xffff  }
0x29f: {  	v5 =	vld.idx.msk [tilespmem:v5+s26+$0x0], $0xffff  }
0x2a0: {  	[tilespmem:s16+$0xFFFFFF90] =	vst v0;
	v7 =	vld.idx.msk [tilespmem:v7+s26+$0x0], $0xffff  }
0x2a1: {  	v14 =	vld.idx.msk [tilespmem:v14+s26+$0x0], $0xffff;
	[tilespmem:s16+$0xFFFFFFA0] =	vst v1  }
0x2a2: {  	[tilespmem:s16+$0xFFFFFFB0] =	vst v2;
	v8 =	vld.idx.msk [tilespmem:v8+s26+$0x0], $0xffff  }
0x2a3: {  	[tilespmem:s16+$0xFFFFFFC0] =	vst v3;
	v0 =	vld.idx.msk [tilespmem:v9+s26+$0x0], $0xffff  }
.Ltmp28:
0x2a4: {  	[tilespmem:s16+$0xFFFFFFD0] =	vst v4;
	v1 =	vld.idx.msk [tilespmem:v10+s26+$0x0], $0xffff;
	(pc) =	sbr.rel @p2 .LBB2_43-.Ltmp28, $4  }
0x2a5: {  	[tilespmem:s16+$0xFFFFFFE0] =	vst v5;
	v2 =	vld.idx.msk [tilespmem:v11+s26+$0x0], $0xffff  }
0x2a6: {  	[tilespmem:s16+$0xFFFFFFF0] =	vst v7;
	v3 =	vld.idx.msk [tilespmem:v12+s26+$0x0], $0xffff  }
0x2a7: {  	[tilespmem:s16+$0xFFFFFF80] =	vst v14;
	v4 =	vld.idx.msk [tilespmem:v13+s26+$0x0], $0xffff  }
0x2a8: {  	s7 =	sadd.s32 $0x100, s7;
	[tilespmem:s16+$0x0] =	vst v8;
	v5 =	vld.idx.msk [tilespmem:v6+s26+$0x0], $0xffff  }
0x2a9: {  	[tilespmem:s16+$0x10] =	vst v0  }
0x2aa: {  	[tilespmem:s16+$0x20] =	vst v1;
	p2 =	sne.s32 s6, $0x18  }
.Ltmp29:
0x2ab: {  	[tilespmem:s16+$0x30] =	vst v2;
	(pc) =	sbr.rel @p2 .LBB2_46-.Ltmp29, $4  }
0x2ac: {  	s7 =	sadd.s32 s11, s17;
	[tilespmem:s16+$0x40] =	vst v3  }
0x2ad: {  	s7 =	sshrl.u32 s7, $0x3;
	[tilespmem:s16+$0x50] =	vst v4  }
0x2ae: {  	s7 =	sadd.s32 s2, s7;
	[tilespmem:s16+$0x60] =	vst v5  }
0x2af: {  	[hbm4b:s7+s4] =	stream.linear.scatter [tilespmem:s28], [sflag:$0x3], $0x1000, $0x38;
	[tilespmem:$0x1F8A0] =	vst v63  }
.Ltmp30:
0x2b0: {  	(pc) =	sbr.rel .LBB2_47-.Ltmp30, $4  }
0x2b1: {  	_ = 	snop  }
0x2b2: {  	_ =	swait.ge [sflag:s29], $0x1000  }
0x2b3: {  	[sflag:s29] =	ssyncset.done $0x0  }
0x2b4: {  	[sflag:s29] =	ssyncadd.s32 $0xFFFFF000  }
.LBB2_46:
0x2b5: {  	s7 =	sshrl.u32 s10, $0x2  }
0x2b6: {  	s7 =	sadd.s32 s7, s3  }
.Ltmp31:
0x2b7: {  	s7 =	sadd.s32 $0x2000, s7;
	(pc) =	sbr.rel @p1 .LBB2_48-.Ltmp31, $4  }
0x2b8: {  	[tilespmem:s24], [sflag:$0x1] =	stream.linear.gather [spmem:s7], $0x1000, $0x38;
	[tilespmem:$0x1F8A0] =	vst v63  }
0x2b9: {  	_ =	swait.ge [sflag:s29], $0x1000  }
0x2ba: {  	[sflag:s29] =	ssyncset.done $0x0  }
0x2bb: {  	[sflag:s29] =	ssyncadd.s32 $0xFFFFF000  }
.LBB2_47:
0x2bc: {  	_ =	swait.ge [sflag:s30], $0x1000  }
0x2bd: {  	[sflag:s30] =	ssyncset.done $0x0  }
0x2be: {  	[sflag:s30] =	ssyncadd.s32 $0xFFFFF000  }
.LBB2_48:
0x2bf: {  	s7 =	simm.s32 $0x1C990  }
0x2c0: {  	v0 =	vld [tilespmem:s7+$0x0]  }
0x2c1: {  	v1 =	vld [tilespmem:s7+$0xFFFFFF20]  }
0x2c2: {  	v2 =	vld [tilespmem:s7+$0xFFFFFF30]  }
0x2c3: {  	v3 =	vld [tilespmem:s7+$0xFFFFFF40]  }
0x2c4: {  	v4 =	vld [tilespmem:s7+$0xFFFFFF50]  }
0x2c5: {  	v5 =	vld [tilespmem:s7+$0xFFFFFF60]  }
0x2c6: {  	v6 =	vld [tilespmem:s7+$0xFFFFFF70]  }
0x2c7: {  	v7 =	vld [tilespmem:s7+$0xFFFFFF80]  }
0x2c8: {  	v8 =	vld [tilespmem:s7+$0xFFFFFF90]  }
0x2c9: {  	v9 =	vld [tilespmem:s7+$0xFFFFFFA0]  }
0x2ca: {  	v10 =	vld [tilespmem:s7+$0xFFFFFFB0]  }
0x2cb: {  	v11 =	vld [tilespmem:s7+$0xFFFFFFC0]  }
0x2cc: {  	v12 =	vld [tilespmem:s7+$0xFFFFFFD0]  }
0x2cd: {  	v13 =	vld [tilespmem:s7+$0xFFFFFFE0]  }
0x2ce: {  	v14 =	vld [tilespmem:s7+$0xFFFFFFF0]  }
0x2cf: {  	v15 =	vld [tilespmem:s7+$0xFFFFFF10]  }
0x2d0: {  	v0 =	vld.idx.msk [tilespmem:v0+s26+$0x0], $0xffff  }
0x2d1: {  	v1 =	vld.idx.msk [tilespmem:v1+s26+$0x0], $0xffff  }
0x2d2: {  	v2 =	vld.idx.msk [tilespmem:v2+s26+$0x0], $0xffff  }
0x2d3: {  	v3 =	vld.idx.msk [tilespmem:v3+s26+$0x0], $0xffff  }
0x2d4: {  	v4 =	vld.idx.msk [tilespmem:v4+s26+$0x0], $0xffff  }
0x2d5: {  	s16 =	simm.s32 $0x1E990;
	v5 =	vld.idx.msk [tilespmem:v5+s26+$0x0], $0xffff  }
0x2d6: {  	v6 =	vld.idx.msk [tilespmem:v6+s26+$0x0], $0xffff;
	[tilespmem:s16+$0x0] =	vst v0  }
0x2d7: {  	v7 =	vld.idx.msk [tilespmem:v7+s26+$0x0], $0xffff;
	[tilespmem:s16+$0xFFFFFF20] =	vst v1  }
0x2d8: {  	v15 =	vld.idx.msk [tilespmem:v15+s26+$0x0], $0xffff;
	[tilespmem:s16+$0xFFFFFF30] =	vst v2  }
0x2d9: {  	v8 =	vld.idx.msk [tilespmem:v8+s26+$0x0], $0xffff;
	[tilespmem:s16+$0xFFFFFF40] =	vst v3  }
0x2da: {  	[tilespmem:s16+$0xFFFFFF50] =	vst v4;
	v0 =	vld.idx.msk [tilespmem:v9+s26+$0x0], $0xffff  }
0x2db: {  	[tilespmem:s16+$0xFFFFFF60] =	vst v5;
	v1 =	vld.idx.msk [tilespmem:v10+s26+$0x0], $0xffff  }
0x2dc: {  	[tilespmem:s16+$0xFFFFFF70] =	vst v6;
	v2 =	vld.idx.msk [tilespmem:v11+s26+$0x0], $0xffff  }
0x2dd: {  	[tilespmem:s16+$0xFFFFFF80] =	vst v7;
	v3 =	vld.idx.msk [tilespmem:v12+s26+$0x0], $0xffff  }
0x2de: {  	[tilespmem:s16+$0xFFFFFF10] =	vst v15;
	v4 =	vld.idx.msk [tilespmem:v13+s26+$0x0], $0xffff  }
0x2df: {  	s19 =	simm.s32 $0x0;
	s7 =	simm.s32 $0x1CA90;
	[tilespmem:s16+$0xFFFFFF90] =	vst v8;
	v5 =	vld.idx.msk [tilespmem:v14+s26+$0x0], $0xffff  }
.LBB2_49:
0x2e0: {  	v6 =	vld [tilespmem:s7+$0x0];
	s19 =	sadd.s32 $0x10, s19;
	[tilespmem:s16+$0xFFFFFFA0] =	vst v0  }
0x2e1: {  	v0 =	vld [tilespmem:s7+$0xFFFFFF20];
	p1 =	slt.u32 s19, $0xF0;
	[tilespmem:s16+$0xFFFFFFB0] =	vst v1  }
0x2e2: {  	v1 =	vld [tilespmem:s7+$0xFFFFFF30];
	[tilespmem:s16+$0xFFFFFFC0] =	vst v2  }
0x2e3: {  	v2 =	vld [tilespmem:s7+$0xFFFFFF40];
	[tilespmem:s16+$0xFFFFFFD0] =	vst v3  }
0x2e4: {  	v3 =	vld [tilespmem:s7+$0xFFFFFF50];
	[tilespmem:s16+$0xFFFFFFE0] =	vst v4  }
0x2e5: {  	v4 =	vld [tilespmem:s7+$0xFFFFFF60];
	[tilespmem:s16+$0xFFFFFFF0] =	vst v5  }
0x2e6: {  	v5 =	vld [tilespmem:s7+$0xFFFFFF70]  }
0x2e7: {  	v7 =	vld [tilespmem:s7+$0xFFFFFF80]  }
0x2e8: {  	v6 =	vld.idx.msk [tilespmem:v6+s26+$0x0], $0xffff  }
0x2e9: {  	v8 =	vld [tilespmem:s7+$0xFFFFFF90]  }
0x2ea: {  	v9 =	vld [tilespmem:s7+$0xFFFFFFA0]  }
0x2eb: {  	v10 =	vld [tilespmem:s7+$0xFFFFFFB0]  }
0x2ec: {  	v11 =	vld [tilespmem:s7+$0xFFFFFFC0]  }
0x2ed: {  	s16 =	sadd.s32 $0x100, s16;
	v12 =	vld [tilespmem:s7+$0xFFFFFFD0]  }
0x2ee: {  	v13 =	vld [tilespmem:s7+$0xFFFFFFE0];
	[tilespmem:s16+$0x0] =	vst v6  }
0x2ef: {  	v6 =	vld [tilespmem:s7+$0xFFFFFFF0]  }
0x2f0: {  	v14 =	vld [tilespmem:s7+$0xFFFFFF10]  }
0x2f1: {  	v0 =	vld.idx.msk [tilespmem:v0+s26+$0x0], $0xffff  }
0x2f2: {  	v1 =	vld.idx.msk [tilespmem:v1+s26+$0x0], $0xffff  }
0x2f3: {  	v2 =	vld.idx.msk [tilespmem:v2+s26+$0x0], $0xffff  }
0x2f4: {  	v3 =	vld.idx.msk [tilespmem:v3+s26+$0x0], $0xffff  }
0x2f5: {  	v4 =	vld.idx.msk [tilespmem:v4+s26+$0x0], $0xffff  }
0x2f6: {  	v5 =	vld.idx.msk [tilespmem:v5+s26+$0x0], $0xffff  }
0x2f7: {  	[tilespmem:s16+$0xFFFFFF20] =	vst v0;
	v7 =	vld.idx.msk [tilespmem:v7+s26+$0x0], $0xffff  }
0x2f8: {  	v14 =	vld.idx.msk [tilespmem:v14+s26+$0x0], $0xffff;
	[tilespmem:s16+$0xFFFFFF30] =	vst v1  }
0x2f9: {  	[tilespmem:s16+$0xFFFFFF40] =	vst v2;
	v8 =	vld.idx.msk [tilespmem:v8+s26+$0x0], $0xffff  }
0x2fa: {  	[tilespmem:s16+$0xFFFFFF50] =	vst v3;
	v0 =	vld.idx.msk [tilespmem:v9+s26+$0x0], $0xffff  }
.Ltmp32:
0x2fb: {  	[tilespmem:s16+$0xFFFFFF60] =	vst v4;
	v1 =	vld.idx.msk [tilespmem:v10+s26+$0x0], $0xffff;
	(pc) =	sbr.rel @p1 .LBB2_49-.Ltmp32, $4  }
0x2fc: {  	[tilespmem:s16+$0xFFFFFF70] =	vst v5;
	v2 =	vld.idx.msk [tilespmem:v11+s26+$0x0], $0xffff  }
0x2fd: {  	[tilespmem:s16+$0xFFFFFF80] =	vst v7;
	v3 =	vld.idx.msk [tilespmem:v12+s26+$0x0], $0xffff  }
0x2fe: {  	[tilespmem:s16+$0xFFFFFF10] =	vst v14;
	v4 =	vld.idx.msk [tilespmem:v13+s26+$0x0], $0xffff  }
0x2ff: {  	s7 =	sadd.s32 $0x100, s7;
	[tilespmem:s16+$0xFFFFFF90] =	vst v8;
	v5 =	vld.idx.msk [tilespmem:v6+s26+$0x0], $0xffff  }
0x300: {  	[tilespmem:s16+$0xFFFFFFA0] =	vst v0  }
0x301: {  	[tilespmem:s16+$0xFFFFFFB0] =	vst v1;
	p1 =	seq.s32 s6, $0x18  }
.Ltmp33:
0x302: {  	[tilespmem:s16+$0xFFFFFFC0] =	vst v2;
	(pc) =	sbr.rel @p1 .LBB2_52-.Ltmp33, $4  }
0x303: {  	s7 =	sadd.s32 s11, s18;
	[tilespmem:s16+$0xFFFFFFD0] =	vst v3  }
0x304: {  	s7 =	sshrl.u32 s7, $0x3;
	[tilespmem:s16+$0xFFFFFFE0] =	vst v4  }
0x305: {  	s7 =	sadd.s32 s2, s7;
	[tilespmem:s16+$0xFFFFFFF0] =	vst v5  }
0x306: {  	[hbm4b:s7+s4] =	stream.linear.scatter [tilespmem:s31], [sflag:$0x4], $0x1000, $0x38;
	[tilespmem:$0x1F8A0] =	vst v63  }
.Ltmp34:
0x307: {  	(pc) =	sbr.rel .LBB2_42-.Ltmp34, $4  }
0x308: {  	s7 =	sshrl.u32 s10, $0x2  }
0x309: {  	s7 =	sadd.s32 s7, s3  }
0x30a: {  	s6 =	sadd.s32 $0x1, s6;
	s7 =	sadd.s32 $0x3000, s7  }
0x30b: {  	[tilespmem:s25], [sflag:$0x2] =	stream.linear.gather [spmem:s7], $0x1000, $0x38;
	[tilespmem:$0x1F8A0] =	vst v63  }
.LBB2_54:
0x30c: {  	_ =	sfence.sel $0x180000  }
0x30d: {  	[bflag:$0x0] =	sbarrier.arrive $0xFFFF  }
0x30e: {  	_ =	strace $0x90000047  }
0x30f: {  	s0 =	stileid.u32;
	[bflag:$0x2] =	sbarrier.arrive $0xFFFF  }
0x310: {  	p0 =	sne.s32 s0, $0x0;
	s0 =	rddreg [dreg:$0x4]  }
0x311: {  	s0 =	sadd.s32 @!p0 $0x100000, s0  }
0x312: {  	[sflag:s0] =	ssyncadd.tile.s32 @!p0 $0x1;
	_ =	shalt  }
.Lfunc_end2:
_tile_overlayer_lowered:
.L_overlay_start_2:
0x313: {  	(tag) =	ssettag $0x2  }
0x314: {  	s0 =	rddreg [dreg:$0x0];
	s2 =	stileid.u32  }
0x315: {  	s1 =	rddreg [dreg:$0x1];
	p0 =	sne.s32 s2, $0x0  }
0x316: {  	s3 =	rddreg [dreg:$0x2];
	[bflag:$0x3] =	sbarrier.arrive $0xFFFF;
	s2 =	simm.s32 @!p0 $0x1C05  }
0x317: {  	[timem:s3], [sflag:s2] =	dma.local @!p0 [hbm:s0], s1  }
0x318: {  	s0 =	simm.s32 @!p0 $0x5  }
0x319: {  	_ =	swait.ge @!p0 [sflag:s0], s1  }
0x31a: {  	s1 =	ssub.s32 @!p0 $0x0, s1;
	[sflag:s0] =	ssyncset.done @!p0 $0x0  }
0x31b: {  	[sflag:s0] =	ssyncadd.s32 @!p0 s1  }
0x31c: {  	[bflag:$0x3] =	sbarrier.arrive $0xFFFF  }
0x31d: {  	_ =	shalt  }

</sc_bundles>
